<compile_context>
chip_gen: v7x
topology: tpu7x:2x2x1
jax: 0.10.2.dev20260603
libtpu: 0.0.44.dev20260713+nightly
codegen_flags: <defaults>
</compile_context>

<pallas_src>
import functools

import jax
import jax.numpy as jnp
from jax import lax
from jax.experimental import pallas as pl
from jax.experimental.pallas import tpu as pltpu
from jax.experimental.pallas import tpu_sc as plsc

N_NODES = 10000
N_EDGES = 320000
D_FEAT = 128
HALF = 144

NS = 16

N_PAD = 10240
E_PAD = 327680

CH = 80
N_CHUNKS = E_PAD // CH
TC_CHUNKS = N_CHUNKS // NS
N_ACC = N_PAD
STRIPE = N_ACC // NS

MB = 1024
_SC_PARAMS = pltpu.CompilerParams(use_tc_tiling_on_sc=False)


def _dense_pre_body(x_ref, w1_ref, b1_ref, w2_ref, b2_ref,
                    wcat_a_ref, wcat_b_ref, wx_a_ref, wx_b_ref, bias_b_ref,
                    h2a_ref, h2b_ref, xwa_ref, xwb_ref):
    x = x_ref[...]
    h1 = jnp.maximum(x @ w1_ref[...] + b1_ref[...], 0.0)
    h = h1 @ w2_ref[...] + b2_ref[...]
    h2a_ref[...] = h @ wcat_a_ref[...]
    h2b_ref[...] = h @ wcat_b_ref[...]
    xwa_ref[...] = x @ wx_a_ref[...]
    xwb_ref[...] = x @ wx_b_ref[...] + bias_b_ref[...]


def _dense_pre(x, w1, b1, w2, b2, wcat_a, wcat_b, wx_a, wx_b, bias_b):
    grid = (N_PAD // MB,)
    full = lambda shape: pl.BlockSpec(shape, lambda i: (0, 0))
    return pl.pallas_call(
        _dense_pre_body,
        grid=grid,
        in_specs=[
            pl.BlockSpec((MB, D_FEAT), lambda i: (i, 0)),
            full((D_FEAT, 128)), full((1, 128)),
            full((128, 512)), full((1, 512)),
            full((512, HALF)), full((512, HALF)),
            full((D_FEAT, HALF)), full((D_FEAT, HALF)), full((1, HALF)),
        ],
        out_specs=[pl.BlockSpec((MB, HALF), lambda i: (i, 0))] * 4,
        out_shape=[jax.ShapeDtypeStruct((N_PAD, HALF), jnp.float32)] * 4,
    )(x, w1, b1, w2, b2, wcat_a, wcat_b, wx_a, wx_b, bias_b)


IB = 64


def _sc_segsum_body(h2a_hbm, h2b_hbm, xwa_hbm, xwb_hbm, src_hbm, dst_hbm,
                    pa_hbm, pb_hbm,
                    idx_s, idx_d, rows0, rows1, sem0, sem1, acc):
    c = lax.axis_index("c")
    s = lax.axis_index("s")

    @pl.when(c == 0)
    def _():
        pltpu.sync_copy(xwa_hbm.at[pl.ds(s * STRIPE, STRIPE)],
                        acc.at[pl.ds(s * STRIPE, STRIPE)])

    @pl.when(c == 1)
    def _():
        pltpu.sync_copy(xwb_hbm.at[pl.ds(s * STRIPE, STRIPE)],
                        acc.at[pl.ds(s * STRIPE, STRIPE)])

    plsc.subcore_barrier()

    def gather(j, buf, sem):
        @pl.when(c == 0)
        def _():
            pltpu.async_copy(h2a_hbm.at[idx_s.at[j]], buf, sem)

        @pl.when(c == 1)
        def _():
            pltpu.async_copy(h2b_hbm.at[idx_s.at[j]], buf, sem)

    def wait_g(j, buf, sem):
        pltpu.make_async_copy(h2a_hbm.at[idx_s.at[j]], buf, sem).wait()

    def block(g, _):
        row0 = s * TC_CHUNKS + g * IB
        pltpu.sync_copy(src_hbm.at[pl.ds(row0, IB)], idx_s)
        pltpu.sync_copy(dst_hbm.at[pl.ds(row0, IB)], idx_d)
        gather(0, rows0, sem0)

        def pair(k, _):
            j0 = 2 * k
            gather(j0 + 1, rows1, sem1)
            wait_g(j0, rows0, sem0)
            pltpu.sync_copy(rows0, acc.at[idx_d.at[j0]], add=True)

            @pl.when(j0 + 2 < IB)
            def _():
                gather(j0 + 2, rows0, sem0)

            wait_g(j0, rows1, sem1)
            pltpu.sync_copy(rows1, acc.at[idx_d.at[j0 + 1]], add=True)
            return 0

        lax.fori_loop(0, IB // 2, pair, 0)
        return 0

    lax.fori_loop(0, TC_CHUNKS // IB, block, 0)
    plsc.subcore_barrier()

    @pl.when(c == 0)
    def _():
        pltpu.sync_copy(acc.at[pl.ds(s * STRIPE, STRIPE)],
                        pa_hbm.at[pl.ds(s * STRIPE, STRIPE)])

    @pl.when(c == 1)
    def _():
        pltpu.sync_copy(acc.at[pl.ds(s * STRIPE, STRIPE)],
                        pb_hbm.at[pl.ds(s * STRIPE, STRIPE)])


def _sc_segsum(h2a, h2b, xwa, xwb, src2d, dst2d):
    mesh = plsc.VectorSubcoreMesh(core_axis_name="c", subcore_axis_name="s",
                                  num_cores=2, num_subcores=NS)
    return pl.kernel(
        _sc_segsum_body,
        compiler_params=_SC_PARAMS,
        out_type=[jax.ShapeDtypeStruct((N_ACC, HALF), jnp.float32)] * 2,
        mesh=mesh,
        scratch_types=[
            pltpu.VMEM((IB, CH), jnp.int32),
            pltpu.VMEM((IB, CH), jnp.int32),
            pltpu.VMEM((CH, HALF), jnp.float32),
            pltpu.VMEM((CH, HALF), jnp.float32),
            pltpu.SemaphoreType.DMA,
            pltpu.SemaphoreType.DMA,
            pltpu.VMEM_SHARED((N_ACC, HALF), jnp.float32),
        ],
    )(h2a, h2b, xwa, xwb, src2d, dst2d)


CHE = 128
IBE = 8
EH = E_PAD // 2
EH_CHUNKS = EH // CHE
TE_CHUNKS = EH_CHUNKS // (2 * NS)


def _sc_edge_body(base_chunk,
                  pa_hbm, pb_hbm, src_hbm, dst_hbm,
                  th0_hbm, th1_hbm, u_hbm,
                  idx_s, idx_d, ra0, ra1, rb0, rb1, uv,
                  sa0, sa1, sb0, sb1):
    c = lax.axis_index("c")
    s = lax.axis_index("s")
    wid = c * NS + s

    def block(g, _):
        row0 = wid * TE_CHUNKS + g * IBE
        pltpu.sync_copy(src_hbm.at[pl.ds(base_chunk + row0, IBE)], idx_s)
        pltpu.sync_copy(dst_hbm.at[pl.ds(base_chunk + row0, IBE)], idx_d)

        def issue(j, ra, sa, rb, sb):
            pltpu.async_copy(pa_hbm.at[idx_s.at[j]], ra, sa)
            pltpu.async_copy(pb_hbm.at[idx_d.at[j]], rb, sb)

        def consume(j, ra, sa, rb, sb):
            base = (row0 + j) * CHE
            pltpu.make_async_copy(pa_hbm.at[idx_s.at[j]], ra, sa).wait()
            pltpu.make_async_copy(pb_hbm.at[idx_d.at[j]], rb, sb).wait()
            pltpu.sync_copy(ra.at[:, pl.ds(0, 128)], th0_hbm.at[pl.ds(base, CHE)])
            pltpu.sync_copy(rb.at[:, pl.ds(0, 128)], th1_hbm.at[pl.ds(base, CHE)])

            def uadd(e, _):
                uv[e, :] = ra[e, pl.ds(128, 16)] + rb[e, pl.ds(128, 16)]
                return 0

            lax.fori_loop(0, CHE, uadd, 0)
            pltpu.sync_copy(uv, u_hbm.at[pl.ds(base, CHE)])

        issue(0, ra0, sa0, rb0, sb0)

        def pair(k, _):
            j0 = 2 * k
            issue(j0 + 1, ra1, sa1, rb1, sb1)
            consume(j0, ra0, sa0, rb0, sb0)

            @pl.when(j0 + 2 < IBE)
            def _():
                issue(j0 + 2, ra0, sa0, rb0, sb0)

            consume(j0 + 1, ra1, sa1, rb1, sb1)
            return 0

        lax.fori_loop(0, IBE // 2, pair, 0)
        return 0

    lax.fori_loop(0, TE_CHUNKS // IBE, block, 0)


def _sc_edge(pa, pb, src2d, dst2d, base_chunk):
    mesh = plsc.VectorSubcoreMesh(core_axis_name="c", subcore_axis_name="s",
                                  num_cores=2, num_subcores=NS)
    return pl.kernel(
        functools.partial(_sc_edge_body, base_chunk),
        compiler_params=_SC_PARAMS,
        out_type=[jax.ShapeDtypeStruct((EH, 128), jnp.float32),
                  jax.ShapeDtypeStruct((EH, 128), jnp.float32),
                  jax.ShapeDtypeStruct((EH, 16), jnp.float32)],
        mesh=mesh,
        scratch_types=[
            pltpu.VMEM((IBE, CHE), jnp.int32),
            pltpu.VMEM((IBE, CHE), jnp.int32),
            pltpu.VMEM((CHE, HALF), jnp.float32),
            pltpu.VMEM((CHE, HALF), jnp.float32),
            pltpu.VMEM((CHE, HALF), jnp.float32),
            pltpu.VMEM((CHE, HALF), jnp.float32),
            pltpu.VMEM((CHE, 16), jnp.float32),
            pltpu.SemaphoreType.DMA,
            pltpu.SemaphoreType.DMA,
            pltpu.SemaphoreType.DMA,
            pltpu.SemaphoreType.DMA,
        ],
    )(pa, pb, src2d, dst2d)


FB = 2560


def _final_body(t0_ref, t1_ref, u_ref, vh_ref, o_ref):
    hid = jnp.maximum(t0_ref[...] + t1_ref[...], 0.0)
    o_ref[...] = hid @ vh_ref[...] + u_ref[...]


def _final_half1(t0, t1, u, vh):
    return pl.pallas_call(
        _final_body,
        grid=(EH // FB,),
        in_specs=[
            pl.BlockSpec((FB, 128), lambda i: (i, 0)),
            pl.BlockSpec((FB, 128), lambda i: (i, 0)),
            pl.BlockSpec((FB, 16), lambda i: (i, 0)),
            pl.BlockSpec((128, 16), lambda i: (0, 0)),
        ],
        out_specs=pl.BlockSpec((FB, 16), lambda i: (i, 0)),
        out_shape=jax.ShapeDtypeStruct((N_EDGES, 16), jnp.float32),
    )(t0, t1, u, vh)


def _final_half2_body(t0_ref, t1_ref, u_ref, vh_ref, prev_ref, o_ref):
    del prev_ref
    hid = jnp.maximum(t0_ref[...] + t1_ref[...], 0.0)
    o_ref[...] = hid @ vh_ref[...] + u_ref[...]


def _final_half2(t0, t1, u, vh, prev):
    n_blocks = (N_EDGES - EH) // FB
    base = EH // FB
    return pl.pallas_call(
        _final_half2_body,
        grid=(n_blocks,),
        in_specs=[
            pl.BlockSpec((FB, 128), lambda i: (i, 0)),
            pl.BlockSpec((FB, 128), lambda i: (i, 0)),
            pl.BlockSpec((FB, 16), lambda i: (i, 0)),
            pl.BlockSpec((128, 16), lambda i: (0, 0)),
            pl.BlockSpec(memory_space=pl.ANY),
        ],
        out_specs=pl.BlockSpec((FB, 16), lambda i: (base + i, 0)),
        out_shape=jax.ShapeDtypeStruct((N_EDGES, 16), jnp.float32),
        input_output_aliases={4: 0},
    )(t0, t1, u, vh, prev)


def kernel(x, edge_attr, edge_index, mp_fc0_w, mp_fc0_b, mp_out_w, mp_out_b,
           fc0_w, fc0_b, fc_out_w, fc_out_b):
    del edge_attr

    src = edge_index[0].astype(jnp.int32)
    dst = edge_index[1].astype(jnp.int32)
    pad_e = E_PAD - N_EDGES
    pad_ar = jnp.arange(pad_e, dtype=jnp.int32)
    src_pad = jnp.concatenate([src, pad_ar % N_NODES])
    dst_pad = jnp.concatenate([dst, N_NODES + pad_ar % (N_PAD - N_NODES)])
    src2d = src_pad.reshape(N_CHUNKS, CH)
    dst2d = dst_pad.reshape(N_CHUNKS, CH)

    x_pad = jnp.pad(x, ((0, N_PAD - N_NODES), (0, 0)))

    W_xs = fc0_w[:, 0:128].T
    W_xd = fc0_w[:, 128:256].T
    W_as = fc0_w[:, 256:768].T
    W_ad = fc0_w[:, 768:1280].T
    V_h = fc_out_w[:, 0:128].T
    V_xs = fc_out_w[:, 128:256].T
    V_xd = fc_out_w[:, 256:384].T
    V_as = fc_out_w[:, 384:896].T
    V_ad = fc_out_w[:, 896:1408].T

    wcat_a = jnp.concatenate([W_as, V_as], axis=1)
    wcat_b = jnp.concatenate([W_ad, V_ad], axis=1)
    wx_a = jnp.concatenate([W_xs, V_xs], axis=1)
    wx_b = jnp.concatenate([W_xd, V_xd], axis=1)
    bias_b = jnp.concatenate([fc0_b, fc_out_b])[None, :]

    h2a, h2b, xwa, xwb = _dense_pre(
        x_pad, mp_fc0_w.T, mp_fc0_b[None, :], mp_out_w.T, mp_out_b[None, :],
        wcat_a, wcat_b, wx_a, wx_b, bias_b)

    pa, pb = _sc_segsum(h2a, h2b, xwa, xwb, src2d, dst2d)
    srcE = src_pad.reshape(E_PAD // CHE, CHE)
    dstE = dst_pad.reshape(E_PAD // CHE, CHE)
    th0a, th1a, ua = _sc_edge(pa, pb, srcE, dstE, 0)
    th0b, th1b, ub = _sc_edge(pa, pb, srcE, dstE, EH_CHUNKS)
    out1 = _final_half1(th0a, th1a, ua, V_h)
    return _final_half2(th0b, th1b, ub, V_h, out1)

# --- scband reference (transcript-rebuilt; emitter-appended) ---
"""Pipeline reference for scband-edge-attribute-predictor-36197984370737 (READ-ONLY COPY).

The authoritative reference and input builder live on the scoring server;
editing this copy changes nothing except your own understanding.
"""

import jax, jax.numpy as jnp
import numpy as np

N_NODES = 10000
N_EDGES = 320000
D_FEAT = 128
D_EDGE = 16
MP_HIDDEN = 128
MP_OUT = 4 * D_FEAT  # 512
FC_HIDDEN = 128
OUT_CH = 16
NODE_REPR = 2 * D_FEAT  # 256
AGGR_REPR = 2 * MP_OUT  # 1024


def setup_inputs(seed: int = 0) -> dict:
    key = jax.random.key(seed)
    ks = jax.random.split(key, 12)
    x = jax.random.normal(ks[0], (N_NODES, D_FEAT), dtype=jnp.float32)
    edge_attr = jax.random.normal(ks[1], (N_EDGES, D_EDGE), dtype=jnp.float32)
    edge_index = jax.random.randint(ks[2], (2, N_EDGES), 0, N_NODES, dtype=jnp.int64)
    s = 0.05
    mp_fc0_w = jax.random.normal(ks[3], (MP_HIDDEN, D_FEAT), dtype=jnp.float32) * s
    mp_fc0_b = jax.random.normal(ks[4], (MP_HIDDEN,), dtype=jnp.float32) * s
    mp_out_w = jax.random.normal(ks[5], (MP_OUT, MP_HIDDEN), dtype=jnp.float32) * s
    mp_out_b = jax.random.normal(ks[6], (MP_OUT,), dtype=jnp.float32) * s
    fc0_w = jax.random.normal(ks[7], (FC_HIDDEN, NODE_REPR + AGGR_REPR), dtype=jnp.float32) * s
    fc0_b = jax.random.normal(ks[8], (FC_HIDDEN,), dtype=jnp.float32) * s
    fc_out_w = jax.random.normal(ks[9], (OUT_CH, FC_HIDDEN + NODE_REPR + AGGR_REPR), dtype=jnp.float32) * s
    fc_out_b = jax.random.normal(ks[10], (OUT_CH,), dtype=jnp.float32) * s
    return {
        "x": x, "edge_attr": edge_attr, "edge_index": edge_index,
        "mp_fc0_w": mp_fc0_w, "mp_fc0_b": mp_fc0_b,
        "mp_out_w": mp_out_w, "mp_out_b": mp_out_b,
        "fc0_w": fc0_w, "fc0_b": fc0_b,
        "fc_out_w": fc_out_w, "fc_out_b": fc_out_b,
    }


def reference(x, edge_attr, edge_index, mp_fc0_w, mp_fc0_b, mp_out_w, mp_out_b,
              fc0_w, fc0_b, fc_out_w, fc_out_b):
    src = edge_index[0]
    dst = edge_index[1]
    # node representation per edge: gather + concat
    node_repr = jnp.concatenate([jnp.take(x, src, axis=0), jnp.take(x, dst, axis=0)], axis=-1)
    # EdgeAttributeMessagePassing: node MLP then propagate with sum aggregation
    h = jax.nn.relu(x @ mp_fc0_w.T + mp_fc0_b)
    h = h @ mp_out_w.T + mp_out_b
    # message: x_j = h[src]; aggregate sum at dst (source_to_target flow)
    x_aggr = jax.ops.segment_sum(jnp.take(h, src, axis=0), dst, num_segments=x.shape[0])
    aggr_node_repr = jnp.concatenate([jnp.take(x_aggr, src, axis=0), jnp.take(x_aggr, dst, axis=0)], axis=-1)
    # edge MLP with dense skip-concatenation of node reprs (edge_attr input is overwritten)
    e = jnp.concatenate([node_repr, aggr_node_repr], axis=-1)
    e = jax.nn.relu(e @ fc0_w.T + fc0_b)
    e = jnp.concatenate([e, node_repr, aggr_node_repr], axis=-1)
    e = e @ fc_out_w.T + fc_out_b
    return e

if __name__ == "__main__":
    import jax
    _d = setup_inputs()
    print(jax.jit(kernel)(*tuple(_d.values())))

</pallas_src>

<mosaic_0001>
#map = affine_map<(d0, d1) -> (0, 0)>
module attributes {stable_mosaic.version = 14 : i64} {
  func.func @_sc_edge_body(%arg0: i32, %arg1: i32, %arg2: memref<10240x144xf32, #tpu.memory_space<hbm>>, %arg3: memref<10240x144xf32, #tpu.memory_space<hbm>>, %arg4: memref<2560x128xi32, #tpu.memory_space<hbm>>, %arg5: memref<2560x128xi32, #tpu.memory_space<hbm>>, %arg6: memref<163840x128xf32, #tpu.memory_space<hbm>>, %arg7: memref<163840x128xf32, #tpu.memory_space<hbm>>, %arg8: memref<163840x16xf32, #tpu.memory_space<hbm>>, %arg9: memref<8x128xi32, #tpu.memory_space<vmem>>, %arg10: memref<8x128xi32, #tpu.memory_space<vmem>>, %arg11: memref<128x144xf32, #tpu.memory_space<vmem>>, %arg12: memref<128x144xf32, #tpu.memory_space<vmem>>, %arg13: memref<128x144xf32, #tpu.memory_space<vmem>>, %arg14: memref<128x144xf32, #tpu.memory_space<vmem>>, %arg15: memref<128x16xf32, #tpu.memory_space<vmem>>, %arg16: memref<!tpu.dma_semaphore, #tpu.memory_space<semaphore_mem>>, %arg17: memref<!tpu.dma_semaphore, #tpu.memory_space<semaphore_mem>>, %arg18: memref<!tpu.dma_semaphore, #tpu.memory_space<semaphore_mem>>, %arg19: memref<!tpu.dma_semaphore, #tpu.memory_space<semaphore_mem>>) attributes {dimension_semantics = [#tpu.dimension_semantics<core_parallel>, #tpu.dimension_semantics<subcore_parallel>], iteration_bounds = array<i64: 2, 16>, scalar_prefetch = 0 : i64, scratch_operands = 11 : i64, tpu.core_type = #tpu.core_type<sc_vector_subcore>, window_params = [{transform_indices = #map}, {transform_indices = #map}, {transform_indices = #map}, {transform_indices = #map}, {transform_indices = #map}, {transform_indices = #map}, {transform_indices = #map}]} {
    %mul3A = arith.constant 16 : i32
    %mul3A_0 = arith.muli %arg0, %mul3A : i32
    %add3A = arith.addi %mul3A_0, %arg1 : i32
    %scan3A = arith.constant 0 : i32
    %scan3A_1 = arith.constant 0 : i32
    %scan3A_2 = arith.constant 5 : i32
    %scan3A_3 = arith.addi %scan3A_1, %scan3A_2 : i32
    %scan3A_4 = arith.constant 1 : i32
    %scan3A_5 = scf.for %scan3A_7 = %scan3A_1 to %scan3A_3 step %scan3A_4 iter_args(%scan3A_8 = %scan3A) -> (i32)  : i32 {
      %mul3A_9 = arith.constant 40 : i32
      %mul3A_10 = arith.muli %add3A, %mul3A_9 : i32
      %mul3A_11 = arith.constant 8 : i32
      %mul3A_12 = arith.muli %scan3A_7, %mul3A_11 : i32
      %add3A_13 = arith.addi %mul3A_10, %mul3A_12 : i32
      %add3A_14 = arith.constant 0 : i32
      %add3A_15 = arith.addi %add3A_14, %add3A_13 : i32
      "tpu.region"() ({
        %run_scoped3A = tpu.sem_alloc : memref<!tpu.dma_semaphore, #tpu.memory_space<semaphore_mem>>
        %dma_start3A_39 = arith.constant 0 : i32
        %dma_start3A_40 = tpu.memref_slice %arg4[%add3A_15, %dma_start3A_39] : memref<2560x128xi32, #tpu.memory_space<hbm>> -> memref<8x128xi32, #tpu.memory_space<hbm>>
        %dma_start3A_41 = arith.constant 0 : i32
        %dma_start3A_42 = tpu.memref_slice %arg4[%add3A_15, %dma_start3A_41] : memref<2560x128xi32, #tpu.memory_space<hbm>> -> memref<8x128xi32, #tpu.memory_space<hbm>>
        tpu.enqueue_dma source(%dma_start3A_42 : memref<8x128xi32, #tpu.memory_space<hbm>>) target(%arg9 : memref<8x128xi32, #tpu.memory_space<vmem>>) target_semaphore(%run_scoped3A : memref<!tpu.dma_semaphore, #tpu.memory_space<semaphore_mem>>)
        %dma_wait3A = arith.constant 0 : i32
        %dma_wait3A_43 = tpu.memref_slice %arg4[%add3A_15, %dma_wait3A] : memref<2560x128xi32, #tpu.memory_space<hbm>> -> memref<8x128xi32, #tpu.memory_space<hbm>>
        %dma_wait3A_44 = arith.constant 0 : i32
        %dma_wait3A_45 = tpu.memref_slice %arg4[%add3A_15, %dma_wait3A_44] : memref<2560x128xi32, #tpu.memory_space<hbm>> -> memref<8x128xi32, #tpu.memory_space<hbm>>
        tpu.wait_dma2 semaphore(%run_scoped3A : memref<!tpu.dma_semaphore, #tpu.memory_space<semaphore_mem>>) src(%dma_wait3A_45 : memref<8x128xi32, #tpu.memory_space<hbm>>) dst(%arg9 : memref<8x128xi32, #tpu.memory_space<vmem>>)
        tpu.yield
      }) : () -> ()
      %add3A_16 = arith.constant 0 : i32
      %add3A_17 = arith.addi %add3A_16, %add3A_13 : i32
      "tpu.region"() ({
        %run_scoped3A = tpu.sem_alloc : memref<!tpu.dma_semaphore, #tpu.memory_space<semaphore_mem>>
        %dma_start3A_39 = arith.constant 0 : i32
        %dma_start3A_40 = tpu.memref_slice %arg5[%add3A_17, %dma_start3A_39] : memref<2560x128xi32, #tpu.memory_space<hbm>> -> memref<8x128xi32, #tpu.memory_space<hbm>>
        %dma_start3A_41 = arith.constant 0 : i32
        %dma_start3A_42 = tpu.memref_slice %arg5[%add3A_17, %dma_start3A_41] : memref<2560x128xi32, #tpu.memory_space<hbm>> -> memref<8x128xi32, #tpu.memory_space<hbm>>
        tpu.enqueue_dma source(%dma_start3A_42 : memref<8x128xi32, #tpu.memory_space<hbm>>) target(%arg10 : memref<8x128xi32, #tpu.memory_space<vmem>>) target_semaphore(%run_scoped3A : memref<!tpu.dma_semaphore, #tpu.memory_space<semaphore_mem>>)
        %dma_wait3A = arith.constant 0 : i32
        %dma_wait3A_43 = tpu.memref_slice %arg5[%add3A_17, %dma_wait3A] : memref<2560x128xi32, #tpu.memory_space<hbm>> -> memref<8x128xi32, #tpu.memory_space<hbm>>
        %dma_wait3A_44 = arith.constant 0 : i32
        %dma_wait3A_45 = tpu.memref_slice %arg5[%add3A_17, %dma_wait3A_44] : memref<2560x128xi32, #tpu.memory_space<hbm>> -> memref<8x128xi32, #tpu.memory_space<hbm>>
        tpu.wait_dma2 semaphore(%run_scoped3A : memref<!tpu.dma_semaphore, #tpu.memory_space<semaphore_mem>>) src(%dma_wait3A_45 : memref<8x128xi32, #tpu.memory_space<hbm>>) dst(%arg10 : memref<8x128xi32, #tpu.memory_space<vmem>>)
        tpu.yield
      }) : () -> ()
      %dma_start3A = arith.constant 0 : i32
      %dma_start3A_18 = arith.constant 0 : i32
      %dma_start3A_19 = tpu.memref_slice %arg9[%dma_start3A, %dma_start3A_18] : memref<8x128xi32, #tpu.memory_space<vmem>> -> memref<1x128xi32, #tpu.memory_space<vmem>>
      %dma_start3A_20 = tpu.memref_squeeze %dma_start3A_19 : memref<1x128xi32, #tpu.memory_space<vmem>> -> memref<128xi32, #tpu.memory_space<vmem>>
      %dma_start3A_21 = arith.constant 0 : i32
      %dma_start3A_22 = arith.constant 0 : i32
      %dma_start3A_23 = tpu.memref_slice %arg2[%dma_start3A_21, %dma_start3A_22] : memref<10240x144xf32, #tpu.memory_space<hbm>> -> memref<10240x144xf32, #tpu.memory_space<hbm>>
      tpu.enqueue_indirect_dma source(%dma_start3A_23 : memref<10240x144xf32, #tpu.memory_space<hbm>>) target(%arg11 : memref<128x144xf32, #tpu.memory_space<vmem>>) offsets(%dma_start3A_20 : memref<128xi32, #tpu.memory_space<vmem>>) semaphore(%arg16 : memref<!tpu.dma_semaphore, #tpu.memory_space<semaphore_mem>>)
      %dma_start3A_24 = arith.constant 0 : i32
      %dma_start3A_25 = arith.constant 0 : i32
      %dma_start3A_26 = tpu.memref_slice %arg10[%dma_start3A_24, %dma_start3A_25] : memref<8x128xi32, #tpu.memory_space<vmem>> -> memref<1x128xi32, #tpu.memory_space<vmem>>
      %dma_start3A_27 = tpu.memref_squeeze %dma_start3A_26 : memref<1x128xi32, #tpu.memory_space<vmem>> -> memref<128xi32, #tpu.memory_space<vmem>>
      %dma_start3A_28 = arith.constant 0 : i32
      %dma_start3A_29 = arith.constant 0 : i32
      %dma_start3A_30 = tpu.memref_slice %arg3[%dma_start3A_28, %dma_start3A_29] : memref<10240x144xf32, #tpu.memory_space<hbm>> -> memref<10240x144xf32, #tpu.memory_space<hbm>>
      tpu.enqueue_indirect_dma source(%dma_start3A_30 : memref<10240x144xf32, #tpu.memory_space<hbm>>) target(%arg13 : memref<128x144xf32, #tpu.memory_space<vmem>>) offsets(%dma_start3A_27 : memref<128xi32, #tpu.memory_space<vmem>>) semaphore(%arg18 : memref<!tpu.dma_semaphore, #tpu.memory_space<semaphore_mem>>)
      %scan3A_31 = arith.constant 0 : i32
      %scan3A_32 = arith.constant 0 : i32
      %scan3A_33 = arith.constant 4 : i32
      %scan3A_34 = arith.addi %scan3A_32, %scan3A_33 : i32
      %scan3A_35 = arith.constant 1 : i32
      %scan3A_36 = scf.for %scan3A_39 = %scan3A_32 to %scan3A_34 step %scan3A_35 iter_args(%scan3A_40 = %scan3A_31) -> (i32)  : i32 {
        %mul3A_41 = arith.constant 2 : i32
        %mul3A_42 = arith.muli %mul3A_41, %scan3A_39 : i32
        %add3A_43 = arith.constant 1 : i32
        %add3A_44 = arith.addi %mul3A_42, %add3A_43 : i32
        %dma_start3A_45 = arith.constant 0 : i32
        %dma_start3A_46 = tpu.memref_slice %arg9[%add3A_44, %dma_start3A_45] : memref<8x128xi32, #tpu.memory_space<vmem>> -> memref<1x128xi32, #tpu.memory_space<vmem>>
        %dma_start3A_47 = tpu.memref_squeeze %dma_start3A_46 : memref<1x128xi32, #tpu.memory_space<vmem>> -> memref<128xi32, #tpu.memory_space<vmem>>
        %dma_start3A_48 = arith.constant 0 : i32
        %dma_start3A_49 = arith.constant 0 : i32
        %dma_start3A_50 = tpu.memref_slice %arg2[%dma_start3A_48, %dma_start3A_49] : memref<10240x144xf32, #tpu.memory_space<hbm>> -> memref<10240x144xf32, #tpu.memory_space<hbm>>
        tpu.enqueue_indirect_dma source(%dma_start3A_50 : memref<10240x144xf32, #tpu.memory_space<hbm>>) target(%arg12 : memref<128x144xf32, #tpu.memory_space<vmem>>) offsets(%dma_start3A_47 : memref<128xi32, #tpu.memory_space<vmem>>) semaphore(%arg17 : memref<!tpu.dma_semaphore, #tpu.memory_space<semaphore_mem>>)
        %dma_start3A_51 = arith.constant 0 : i32
        %dma_start3A_52 = tpu.memref_slice %arg10[%add3A_44, %dma_start3A_51] : memref<8x128xi32, #tpu.memory_space<vmem>> -> memref<1x128xi32, #tpu.memory_space<vmem>>
        %dma_start3A_53 = tpu.memref_squeeze %dma_start3A_52 : memref<1x128xi32, #tpu.memory_space<vmem>> -> memref<128xi32, #tpu.memory_space<vmem>>
        %dma_start3A_54 = arith.constant 0 : i32
        %dma_start3A_55 = arith.constant 0 : i32
        %dma_start3A_56 = tpu.memref_slice %arg3[%dma_start3A_54, %dma_start3A_55] : memref<10240x144xf32, #tpu.memory_space<hbm>> -> memref<10240x144xf32, #tpu.memory_space<hbm>>
        tpu.enqueue_indirect_dma source(%dma_start3A_56 : memref<10240x144xf32, #tpu.memory_space<hbm>>) target(%arg14 : memref<128x144xf32, #tpu.memory_space<vmem>>) offsets(%dma_start3A_53 : memref<128xi32, #tpu.memory_space<vmem>>) semaphore(%arg19 : memref<!tpu.dma_semaphore, #tpu.memory_space<semaphore_mem>>)
        %add3A_57 = arith.addi %add3A_13, %mul3A_42 : i32
        %mul3A_58 = arith.constant 128 : i32
        %mul3A_59 = arith.muli %add3A_57, %mul3A_58 : i32
        %dma_wait3A = arith.constant 0 : i32
        %dma_wait3A_60 = tpu.memref_slice %arg9[%mul3A_42, %dma_wait3A] : memref<8x128xi32, #tpu.memory_space<vmem>> -> memref<1x128xi32, #tpu.memory_space<vmem>>
        %dma_wait3A_61 = tpu.memref_squeeze %dma_wait3A_60 : memref<1x128xi32, #tpu.memory_space<vmem>> -> memref<128xi32, #tpu.memory_space<vmem>>
        %dma_wait3A_62 = arith.constant 0 : i32
        %dma_wait3A_63 = arith.constant 0 : i32
        %dma_wait3A_64 = tpu.memref_slice %arg2[%dma_wait3A_62, %dma_wait3A_63] : memref<10240x144xf32, #tpu.memory_space<hbm>> -> memref<10240x144xf32, #tpu.memory_space<hbm>>
        tpu.wait_indirect_dma semaphore(%arg16 : memref<!tpu.dma_semaphore, #tpu.memory_space<semaphore_mem>>) src(%dma_wait3A_64 : memref<10240x144xf32, #tpu.memory_space<hbm>>) dst(%arg11 : memref<128x144xf32, #tpu.memory_space<vmem>>)
        %dma_wait3A_65 = arith.constant 0 : i32
        %dma_wait3A_66 = tpu.memref_slice %arg10[%mul3A_42, %dma_wait3A_65] : memref<8x128xi32, #tpu.memory_space<vmem>> -> memref<1x128xi32, #tpu.memory_space<vmem>>
        %dma_wait3A_67 = tpu.memref_squeeze %dma_wait3A_66 : memref<1x128xi32, #tpu.memory_space<vmem>> -> memref<128xi32, #tpu.memory_space<vmem>>
        %dma_wait3A_68 = arith.constant 0 : i32
        %dma_wait3A_69 = arith.constant 0 : i32
        %dma_wait3A_70 = tpu.memref_slice %arg3[%dma_wait3A_68, %dma_wait3A_69] : memref<10240x144xf32, #tpu.memory_space<hbm>> -> memref<10240x144xf32, #tpu.memory_space<hbm>>
        tpu.wait_indirect_dma semaphore(%arg18 : memref<!tpu.dma_semaphore, #tpu.memory_space<semaphore_mem>>) src(%dma_wait3A_70 : memref<10240x144xf32, #tpu.memory_space<hbm>>) dst(%arg13 : memref<128x144xf32, #tpu.memory_space<vmem>>)
        "tpu.region"() ({
          %run_scoped3A = tpu.sem_alloc : memref<!tpu.dma_semaphore, #tpu.memory_space<semaphore_mem>>
          %dma_start3A_107 = arith.constant 0 : i32
          %dma_start3A_108 = arith.constant 0 : i32
          %dma_start3A_109 = tpu.memref_slice %arg11[%dma_start3A_107, %dma_start3A_108] : memref<128x144xf32, #tpu.memory_space<vmem>> -> memref<128x128xf32, #tpu.memory_space<vmem>>
          %dma_start3A_110 = arith.constant 0 : i32
          %dma_start3A_111 = tpu.memref_slice %arg6[%mul3A_59, %dma_start3A_110] : memref<163840x128xf32, #tpu.memory_space<hbm>> -> memref<128x128xf32, #tpu.memory_space<hbm>>
          %dma_start3A_112 = arith.constant 0 : i32
          %dma_start3A_113 = tpu.memref_slice %arg6[%mul3A_59, %dma_start3A_112] : memref<163840x128xf32, #tpu.memory_space<hbm>> -> memref<128x128xf32, #tpu.memory_space<hbm>>
          %dma_start3A_114 = arith.constant 0 : i32
          %dma_start3A_115 = arith.constant 0 : i32
          %dma_start3A_116 = tpu.memref_slice %arg11[%dma_start3A_114, %dma_start3A_115] : memref<128x144xf32, #tpu.memory_space<vmem>> -> memref<128x128xf32, #tpu.memory_space<vmem>>
          tpu.enqueue_dma source(%dma_start3A_116 : memref<128x128xf32, #tpu.memory_space<vmem>>) target(%dma_start3A_113 : memref<128x128xf32, #tpu.memory_space<hbm>>) target_semaphore(%run_scoped3A : memref<!tpu.dma_semaphore, #tpu.memory_space<semaphore_mem>>)
          %dma_wait3A_117 = arith.constant 0 : i32
          %dma_wait3A_118 = arith.constant 0 : i32
          %dma_wait3A_119 = tpu.memref_slice %arg11[%dma_wait3A_117, %dma_wait3A_118] : memref<128x144xf32, #tpu.memory_space<vmem>> -> memref<128x128xf32, #tpu.memory_space<vmem>>
          %dma_wait3A_120 = arith.constant 0 : i32
          %dma_wait3A_121 = tpu.memref_slice %arg6[%mul3A_59, %dma_wait3A_120] : memref<163840x128xf32, #tpu.memory_space<hbm>> -> memref<128x128xf32, #tpu.memory_space<hbm>>
          %dma_wait3A_122 = arith.constant 0 : i32
          %dma_wait3A_123 = tpu.memref_slice %arg6[%mul3A_59, %dma_wait3A_122] : memref<163840x128xf32, #tpu.memory_space<hbm>> -> memref<128x128xf32, #tpu.memory_space<hbm>>
          %dma_wait3A_124 = arith.constant 0 : i32
          %dma_wait3A_125 = arith.constant 0 : i32
          %dma_wait3A_126 = tpu.memref_slice %arg11[%dma_wait3A_124, %dma_wait3A_125] : memref<128x144xf32, #tpu.memory_space<vmem>> -> memref<128x128xf32, #tpu.memory_space<vmem>>
          tpu.wait_dma2 semaphore(%run_scoped3A : memref<!tpu.dma_semaphore, #tpu.memory_space<semaphore_mem>>) src(%dma_wait3A_126 : memref<128x128xf32, #tpu.memory_space<vmem>>) dst(%dma_wait3A_123 : memref<128x128xf32, #tpu.memory_space<hbm>>)
          tpu.yield
        }) : () -> ()
        "tpu.region"() ({
          %run_scoped3A = tpu.sem_alloc : memref<!tpu.dma_semaphore, #tpu.memory_space<semaphore_mem>>
          %dma_start3A_107 = arith.constant 0 : i32
          %dma_start3A_108 = arith.constant 0 : i32
          %dma_start3A_109 = tpu.memref_slice %arg13[%dma_start3A_107, %dma_start3A_108] : memref<128x144xf32, #tpu.memory_space<vmem>> -> memref<128x128xf32, #tpu.memory_space<vmem>>
          %dma_start3A_110 = arith.constant 0 : i32
          %dma_start3A_111 = tpu.memref_slice %arg7[%mul3A_59, %dma_start3A_110] : memref<163840x128xf32, #tpu.memory_space<hbm>> -> memref<128x128xf32, #tpu.memory_space<hbm>>
          %dma_start3A_112 = arith.constant 0 : i32
          %dma_start3A_113 = tpu.memref_slice %arg7[%mul3A_59, %dma_start3A_112] : memref<163840x128xf32, #tpu.memory_space<hbm>> -> memref<128x128xf32, #tpu.memory_space<hbm>>
          %dma_start3A_114 = arith.constant 0 : i32
          %dma_start3A_115 = arith.constant 0 : i32
          %dma_start3A_116 = tpu.memref_slice %arg13[%dma_start3A_114, %dma_start3A_115] : memref<128x144xf32, #tpu.memory_space<vmem>> -> memref<128x128xf32, #tpu.memory_space<vmem>>
          tpu.enqueue_dma source(%dma_start3A_116 : memref<128x128xf32, #tpu.memory_space<vmem>>) target(%dma_start3A_113 : memref<128x128xf32, #tpu.memory_space<hbm>>) target_semaphore(%run_scoped3A : memref<!tpu.dma_semaphore, #tpu.memory_space<semaphore_mem>>)
          %dma_wait3A_117 = arith.constant 0 : i32
          %dma_wait3A_118 = arith.constant 0 : i32
          %dma_wait3A_119 = tpu.memref_slice %arg13[%dma_wait3A_117, %dma_wait3A_118] : memref<128x144xf32, #tpu.memory_space<vmem>> -> memref<128x128xf32, #tpu.memory_space<vmem>>
          %dma_wait3A_120 = arith.constant 0 : i32
          %dma_wait3A_121 = tpu.memref_slice %arg7[%mul3A_59, %dma_wait3A_120] : memref<163840x128xf32, #tpu.memory_space<hbm>> -> memref<128x128xf32, #tpu.memory_space<hbm>>
          %dma_wait3A_122 = arith.constant 0 : i32
          %dma_wait3A_123 = tpu.memref_slice %arg7[%mul3A_59, %dma_wait3A_122] : memref<163840x128xf32, #tpu.memory_space<hbm>> -> memref<128x128xf32, #tpu.memory_space<hbm>>
          %dma_wait3A_124 = arith.constant 0 : i32
          %dma_wait3A_125 = arith.constant 0 : i32
          %dma_wait3A_126 = tpu.memref_slice %arg13[%dma_wait3A_124, %dma_wait3A_125] : memref<128x144xf32, #tpu.memory_space<vmem>> -> memref<128x128xf32, #tpu.memory_space<vmem>>
          tpu.wait_dma2 semaphore(%run_scoped3A : memref<!tpu.dma_semaphore, #tpu.memory_space<semaphore_mem>>) src(%dma_wait3A_126 : memref<128x128xf32, #tpu.memory_space<vmem>>) dst(%dma_wait3A_123 : memref<128x128xf32, #tpu.memory_space<hbm>>)
          tpu.yield
        }) : () -> ()
        %scan3A_71 = arith.constant 0 : i32
        %scan3A_72 = arith.constant 0 : i32
        %scan3A_73 = arith.constant 128 : i32
        %scan3A_74 = arith.addi %scan3A_72, %scan3A_73 : i32
        %scan3A_75 = arith.constant 1 : i32
        %scan3A_76 = scf.for %scan3A_107 = %scan3A_72 to %scan3A_74 step %scan3A_75 iter_args(%scan3A_108 = %scan3A_71) -> (i32)  : i32 {
          %get3A = arith.index_cast %scan3A_107 : i32 to index
          %get3A_109 = arith.constant 128 : index
          %get3A_110 = tpu.vector_load %arg11[%get3A, %get3A_109] {strides = array<i32>} : memref<128x144xf32, #tpu.memory_space<vmem>>, vector<1x16xf32>,
          %get3A_111 = vector.shape_cast %get3A_110 : vector<1x16xf32> to vector<16xf32>
          %get3A_112 = arith.index_cast %scan3A_107 : i32 to index
          %get3A_113 = arith.constant 128 : index
          %get3A_114 = tpu.vector_load %arg13[%get3A_112, %get3A_113] {strides = array<i32>} : memref<128x144xf32, #tpu.memory_space<vmem>>, vector<1x16xf32>,
          %get3A_115 = vector.shape_cast %get3A_114 : vector<1x16xf32> to vector<16xf32>
          %add3A_116 = arith.addf %get3A_111, %get3A_115 : vector<16xf32>
          %swap3A = arith.index_cast %scan3A_107 : i32 to index
          %swap3A_117 = arith.constant 0 : index
          %swap3A_118 = tpu.vector_load %arg15[%swap3A, %swap3A_117] {strides = array<i32>} : memref<128x16xf32, #tpu.memory_space<vmem>>, vector<1x16xf32>,
          %swap3A_119 = vector.shape_cast %swap3A_118 : vector<1x16xf32> to vector<16xf32>
          %swap3A_120 = vector.shape_cast %add3A_116 : vector<16xf32> to vector<1x16xf32>
          tpu.vector_store %arg15[%swap3A, %swap3A_117], %swap3A_120 {strides = array<i32>} : memref<128x16xf32, #tpu.memory_space<vmem>>, vector<1x16xf32>,
          %scan3A_121 = arith.constant 0 : i32
          scf.yield %scan3A_121 : i32
        }
        %scan3A_77 = arith.constant 128 : i32
        "tpu.region"() ({
          %run_scoped3A = tpu.sem_alloc : memref<!tpu.dma_semaphore, #tpu.memory_space<semaphore_mem>>
          %dma_start3A_107 = arith.constant 0 : i32
          %dma_start3A_108 = tpu.memref_slice %arg8[%mul3A_59, %dma_start3A_107] : memref<163840x16xf32, #tpu.memory_space<hbm>> -> memref<128x16xf32, #tpu.memory_space<hbm>>
          %dma_start3A_109 = arith.constant 0 : i32
          %dma_start3A_110 = tpu.memref_slice %arg8[%mul3A_59, %dma_start3A_109] : memref<163840x16xf32, #tpu.memory_space<hbm>> -> memref<128x16xf32, #tpu.memory_space<hbm>>
          tpu.enqueue_dma source(%arg15 : memref<128x16xf32, #tpu.memory_space<vmem>>) target(%dma_start3A_110 : memref<128x16xf32, #tpu.memory_space<hbm>>) target_semaphore(%run_scoped3A : memref<!tpu.dma_semaphore, #tpu.memory_space<semaphore_mem>>)
          %dma_wait3A_111 = arith.constant 0 : i32
          %dma_wait3A_112 = tpu.memref_slice %arg8[%mul3A_59, %dma_wait3A_111] : memref<163840x16xf32, #tpu.memory_space<hbm>> -> memref<128x16xf32, #tpu.memory_space<hbm>>
          %dma_wait3A_113 = arith.constant 0 : i32
          %dma_wait3A_114 = tpu.memref_slice %arg8[%mul3A_59, %dma_wait3A_113] : memref<163840x16xf32, #tpu.memory_space<hbm>> -> memref<128x16xf32, #tpu.memory_space<hbm>>
          tpu.wait_dma2 semaphore(%run_scoped3A : memref<!tpu.dma_semaphore, #tpu.memory_space<semaphore_mem>>) src(%arg15 : memref<128x16xf32, #tpu.memory_space<vmem>>) dst(%dma_wait3A_114 : memref<128x16xf32, #tpu.memory_space<hbm>>)
          tpu.yield
        }) : () -> ()
        %add3A_78 = arith.constant 2 : i32
        %add3A_79 = arith.addi %mul3A_42, %add3A_78 : i32
        %lt3A = arith.constant 8 : i32
        %lt3A_80 = arith.cmpi slt, %add3A_79, %lt3A : i32
        %convert_element_type3A = arith.extui %lt3A_80 : i1 to i32
        %cond3A = arith.constant 0 : i32
        %cond3A_81 = arith.cmpi ne, %convert_element_type3A, %cond3A : i32
        scf.if %cond3A_81 {
          %add3A_107 = arith.constant 2 : i32
          %add3A_108 = arith.addi %mul3A_42, %add3A_107 : i32
          %dma_start3A_109 = arith.constant 0 : i32
          %dma_start3A_110 = tpu.memref_slice %arg9[%add3A_108, %dma_start3A_109] : memref<8x128xi32, #tpu.memory_space<vmem>> -> memref<1x128xi32, #tpu.memory_space<vmem>>
          %dma_start3A_111 = tpu.memref_squeeze %dma_start3A_110 : memref<1x128xi32, #tpu.memory_space<vmem>> -> memref<128xi32, #tpu.memory_space<vmem>>
          %dma_start3A_112 = arith.constant 0 : i32
          %dma_start3A_113 = arith.constant 0 : i32
          %dma_start3A_114 = tpu.memref_slice %arg2[%dma_start3A_112, %dma_start3A_113] : memref<10240x144xf32, #tpu.memory_space<hbm>> -> memref<10240x144xf32, #tpu.memory_space<hbm>>
          tpu.enqueue_indirect_dma source(%dma_start3A_114 : memref<10240x144xf32, #tpu.memory_space<hbm>>) target(%arg11 : memref<128x144xf32, #tpu.memory_space<vmem>>) offsets(%dma_start3A_111 : memref<128xi32, #tpu.memory_space<vmem>>) semaphore(%arg16 : memref<!tpu.dma_semaphore, #tpu.memory_space<semaphore_mem>>)
          %dma_start3A_115 = arith.constant 0 : i32
          %dma_start3A_116 = tpu.memref_slice %arg10[%add3A_108, %dma_start3A_115] : memref<8x128xi32, #tpu.memory_space<vmem>> -> memref<1x128xi32, #tpu.memory_space<vmem>>
          %dma_start3A_117 = tpu.memref_squeeze %dma_start3A_116 : memref<1x128xi32, #tpu.memory_space<vmem>> -> memref<128xi32, #tpu.memory_space<vmem>>
          %dma_start3A_118 = arith.constant 0 : i32
          %dma_start3A_119 = arith.constant 0 : i32
          %dma_start3A_120 = tpu.memref_slice %arg3[%dma_start3A_118, %dma_start3A_119] : memref<10240x144xf32, #tpu.memory_space<hbm>> -> memref<10240x144xf32, #tpu.memory_space<hbm>>
          tpu.enqueue_indirect_dma source(%dma_start3A_120 : memref<10240x144xf32, #tpu.memory_space<hbm>>) target(%arg13 : memref<128x144xf32, #tpu.memory_space<vmem>>) offsets(%dma_start3A_117 : memref<128xi32, #tpu.memory_space<vmem>>) semaphore(%arg18 : memref<!tpu.dma_semaphore, #tpu.memory_space<semaphore_mem>>)
        } else {
        }
        %add3A_82 = arith.constant 1 : i32
        %add3A_83 = arith.addi %mul3A_42, %add3A_82 : i32
        %add3A_84 = arith.addi %add3A_13, %add3A_83 : i32
        %mul3A_85 = arith.constant 128 : i32
        %mul3A_86 = arith.muli %add3A_84, %mul3A_85 : i32
        %dma_wait3A_87 = arith.constant 0 : i32
        %dma_wait3A_88 = tpu.memref_slice %arg9[%add3A_83, %dma_wait3A_87] : memref<8x128xi32, #tpu.memory_space<vmem>> -> memref<1x128xi32, #tpu.memory_space<vmem>>
        %dma_wait3A_89 = tpu.memref_squeeze %dma_wait3A_88 : memref<1x128xi32, #tpu.memory_space<vmem>> -> memref<128xi32, #tpu.memory_space<vmem>>
        %dma_wait3A_90 = arith.constant 0 : i32
        %dma_wait3A_91 = arith.constant 0 : i32
        %dma_wait3A_92 = tpu.memref_slice %arg2[%dma_wait3A_90, %dma_wait3A_91] : memref<10240x144xf32, #tpu.memory_space<hbm>> -> memref<10240x144xf32, #tpu.memory_space<hbm>>
        tpu.wait_indirect_dma semaphore(%arg17 : memref<!tpu.dma_semaphore, #tpu.memory_space<semaphore_mem>>) src(%dma_wait3A_92 : memref<10240x144xf32, #tpu.memory_space<hbm>>) dst(%arg12 : memref<128x144xf32, #tpu.memory_space<vmem>>)
        %dma_wait3A_93 = arith.constant 0 : i32
        %dma_wait3A_94 = tpu.memref_slice %arg10[%add3A_83, %dma_wait3A_93] : memref<8x128xi32, #tpu.memory_space<vmem>> -> memref<1x128xi32, #tpu.memory_space<vmem>>
        %dma_wait3A_95 = tpu.memref_squeeze %dma_wait3A_94 : memref<1x128xi32, #tpu.memory_space<vmem>> -> memref<128xi32, #tpu.memory_space<vmem>>
        %dma_wait3A_96 = arith.constant 0 : i32
        %dma_wait3A_97 = arith.constant 0 : i32
        %dma_wait3A_98 = tpu.memref_slice %arg3[%dma_wait3A_96, %dma_wait3A_97] : memref<10240x144xf32, #tpu.memory_space<hbm>> -> memref<10240x144xf32, #tpu.memory_space<hbm>>
        tpu.wait_indirect_dma semaphore(%arg19 : memref<!tpu.dma_semaphore, #tpu.memory_space<semaphore_mem>>) src(%dma_wait3A_98 : memref<10240x144xf32, #tpu.memory_space<hbm>>) dst(%arg14 : memref<128x144xf32, #tpu.memory_space<vmem>>)
        "tpu.region"() ({
          %run_scoped3A = tpu.sem_alloc : memref<!tpu.dma_semaphore, #tpu.memory_space<semaphore_mem>>
          %dma_start3A_107 = arith.constant 0 : i32
          %dma_start3A_108 = arith.constant 0 : i32
          %dma_start3A_109 = tpu.memref_slice %arg12[%dma_start3A_107, %dma_start3A_108] : memref<128x144xf32, #tpu.memory_space<vmem>> -> memref<128x128xf32, #tpu.memory_space<vmem>>
          %dma_start3A_110 = arith.constant 0 : i32
          %dma_start3A_111 = tpu.memref_slice %arg6[%mul3A_86, %dma_start3A_110] : memref<163840x128xf32, #tpu.memory_space<hbm>> -> memref<128x128xf32, #tpu.memory_space<hbm>>
          %dma_start3A_112 = arith.constant 0 : i32
          %dma_start3A_113 = tpu.memref_slice %arg6[%mul3A_86, %dma_start3A_112] : memref<163840x128xf32, #tpu.memory_space<hbm>> -> memref<128x128xf32, #tpu.memory_space<hbm>>
          %dma_start3A_114 = arith.constant 0 : i32
          %dma_start3A_115 = arith.constant 0 : i32
          %dma_start3A_116 = tpu.memref_slice %arg12[%dma_start3A_114, %dma_start3A_115] : memref<128x144xf32, #tpu.memory_space<vmem>> -> memref<128x128xf32, #tpu.memory_space<vmem>>
          tpu.enqueue_dma source(%dma_start3A_116 : memref<128x128xf32, #tpu.memory_space<vmem>>) target(%dma_start3A_113 : memref<128x128xf32, #tpu.memory_space<hbm>>) target_semaphore(%run_scoped3A : memref<!tpu.dma_semaphore, #tpu.memory_space<semaphore_mem>>)
          %dma_wait3A_117 = arith.constant 0 : i32
          %dma_wait3A_118 = arith.constant 0 : i32
          %dma_wait3A_119 = tpu.memref_slice %arg12[%dma_wait3A_117, %dma_wait3A_118] : memref<128x144xf32, #tpu.memory_space<vmem>> -> memref<128x128xf32, #tpu.memory_space<vmem>>
          %dma_wait3A_120 = arith.constant 0 : i32
          %dma_wait3A_121 = tpu.memref_slice %arg6[%mul3A_86, %dma_wait3A_120] : memref<163840x128xf32, #tpu.memory_space<hbm>> -> memref<128x128xf32, #tpu.memory_space<hbm>>
          %dma_wait3A_122 = arith.constant 0 : i32
          %dma_wait3A_123 = tpu.memref_slice %arg6[%mul3A_86, %dma_wait3A_122] : memref<163840x128xf32, #tpu.memory_space<hbm>> -> memref<128x128xf32, #tpu.memory_space<hbm>>
          %dma_wait3A_124 = arith.constant 0 : i32
          %dma_wait3A_125 = arith.constant 0 : i32
          %dma_wait3A_126 = tpu.memref_slice %arg12[%dma_wait3A_124, %dma_wait3A_125] : memref<128x144xf32, #tpu.memory_space<vmem>> -> memref<128x128xf32, #tpu.memory_space<vmem>>
          tpu.wait_dma2 semaphore(%run_scoped3A : memref<!tpu.dma_semaphore, #tpu.memory_space<semaphore_mem>>) src(%dma_wait3A_126 : memref<128x128xf32, #tpu.memory_space<vmem>>) dst(%dma_wait3A_123 : memref<128x128xf32, #tpu.memory_space<hbm>>)
          tpu.yield
        }) : () -> ()
        "tpu.region"() ({
          %run_scoped3A = tpu.sem_alloc : memref<!tpu.dma_semaphore, #tpu.memory_space<semaphore_mem>>
          %dma_start3A_107 = arith.constant 0 : i32
          %dma_start3A_108 = arith.constant 0 : i32
          %dma_start3A_109 = tpu.memref_slice %arg14[%dma_start3A_107, %dma_start3A_108] : memref<128x144xf32, #tpu.memory_space<vmem>> -> memref<128x128xf32, #tpu.memory_space<vmem>>
          %dma_start3A_110 = arith.constant 0 : i32
          %dma_start3A_111 = tpu.memref_slice %arg7[%mul3A_86, %dma_start3A_110] : memref<163840x128xf32, #tpu.memory_space<hbm>> -> memref<128x128xf32, #tpu.memory_space<hbm>>
          %dma_start3A_112 = arith.constant 0 : i32
          %dma_start3A_113 = tpu.memref_slice %arg7[%mul3A_86, %dma_start3A_112] : memref<163840x128xf32, #tpu.memory_space<hbm>> -> memref<128x128xf32, #tpu.memory_space<hbm>>
          %dma_start3A_114 = arith.constant 0 : i32
          %dma_start3A_115 = arith.constant 0 : i32
          %dma_start3A_116 = tpu.memref_slice %arg14[%dma_start3A_114, %dma_start3A_115] : memref<128x144xf32, #tpu.memory_space<vmem>> -> memref<128x128xf32, #tpu.memory_space<vmem>>
          tpu.enqueue_dma source(%dma_start3A_116 : memref<128x128xf32, #tpu.memory_space<vmem>>) target(%dma_start3A_113 : memref<128x128xf32, #tpu.memory_space<hbm>>) target_semaphore(%run_scoped3A : memref<!tpu.dma_semaphore, #tpu.memory_space<semaphore_mem>>)
          %dma_wait3A_117 = arith.constant 0 : i32
          %dma_wait3A_118 = arith.constant 0 : i32
          %dma_wait3A_119 = tpu.memref_slice %arg14[%dma_wait3A_117, %dma_wait3A_118] : memref<128x144xf32, #tpu.memory_space<vmem>> -> memref<128x128xf32, #tpu.memory_space<vmem>>
          %dma_wait3A_120 = arith.constant 0 : i32
          %dma_wait3A_121 = tpu.memref_slice %arg7[%mul3A_86, %dma_wait3A_120] : memref<163840x128xf32, #tpu.memory_space<hbm>> -> memref<128x128xf32, #tpu.memory_space<hbm>>
          %dma_wait3A_122 = arith.constant 0 : i32
          %dma_wait3A_123 = tpu.memref_slice %arg7[%mul3A_86, %dma_wait3A_122] : memref<163840x128xf32, #tpu.memory_space<hbm>> -> memref<128x128xf32, #tpu.memory_space<hbm>>
          %dma_wait3A_124 = arith.constant 0 : i32
          %dma_wait3A_125 = arith.constant 0 : i32
          %dma_wait3A_126 = tpu.memref_slice %arg14[%dma_wait3A_124, %dma_wait3A_125] : memref<128x144xf32, #tpu.memory_space<vmem>> -> memref<128x128xf32, #tpu.memory_space<vmem>>
          tpu.wait_dma2 semaphore(%run_scoped3A : memref<!tpu.dma_semaphore, #tpu.memory_space<semaphore_mem>>) src(%dma_wait3A_126 : memref<128x128xf32, #tpu.memory_space<vmem>>) dst(%dma_wait3A_123 : memref<128x128xf32, #tpu.memory_space<hbm>>)
          tpu.yield
        }) : () -> ()
        %scan3A_99 = arith.constant 0 : i32
        %scan3A_100 = arith.constant 0 : i32
        %scan3A_101 = arith.constant 128 : i32
        %scan3A_102 = arith.addi %scan3A_100, %scan3A_101 : i32
        %scan3A_103 = arith.constant 1 : i32
        %scan3A_104 = scf.for %scan3A_107 = %scan3A_100 to %scan3A_102 step %scan3A_103 iter_args(%scan3A_108 = %scan3A_99) -> (i32)  : i32 {
          %get3A = arith.index_cast %scan3A_107 : i32 to index
          %get3A_109 = arith.constant 128 : index
          %get3A_110 = tpu.vector_load %arg12[%get3A, %get3A_109] {strides = array<i32>} : memref<128x144xf32, #tpu.memory_space<vmem>>, vector<1x16xf32>,
          %get3A_111 = vector.shape_cast %get3A_110 : vector<1x16xf32> to vector<16xf32>
          %get3A_112 = arith.index_cast %scan3A_107 : i32 to index
          %get3A_113 = arith.constant 128 : index
          %get3A_114 = tpu.vector_load %arg14[%get3A_112, %get3A_113] {strides = array<i32>} : memref<128x144xf32, #tpu.memory_space<vmem>>, vector<1x16xf32>,
          %get3A_115 = vector.shape_cast %get3A_114 : vector<1x16xf32> to vector<16xf32>
          %add3A_116 = arith.addf %get3A_111, %get3A_115 : vector<16xf32>
          %swap3A = arith.index_cast %scan3A_107 : i32 to index
          %swap3A_117 = arith.constant 0 : index
          %swap3A_118 = tpu.vector_load %arg15[%swap3A, %swap3A_117] {strides = array<i32>} : memref<128x16xf32, #tpu.memory_space<vmem>>, vector<1x16xf32>,
          %swap3A_119 = vector.shape_cast %swap3A_118 : vector<1x16xf32> to vector<16xf32>
          %swap3A_120 = vector.shape_cast %add3A_116 : vector<16xf32> to vector<1x16xf32>
          tpu.vector_store %arg15[%swap3A, %swap3A_117], %swap3A_120 {strides = array<i32>} : memref<128x16xf32, #tpu.memory_space<vmem>>, vector<1x16xf32>,
          %scan3A_121 = arith.constant 0 : i32
          scf.yield %scan3A_121 : i32
        }
        %scan3A_105 = arith.constant 128 : i32
        "tpu.region"() ({
          %run_scoped3A = tpu.sem_alloc : memref<!tpu.dma_semaphore, #tpu.memory_space<semaphore_mem>>
          %dma_start3A_107 = arith.constant 0 : i32
          %dma_start3A_108 = tpu.memref_slice %arg8[%mul3A_86, %dma_start3A_107] : memref<163840x16xf32, #tpu.memory_space<hbm>> -> memref<128x16xf32, #tpu.memory_space<hbm>>
          %dma_start3A_109 = arith.constant 0 : i32
          %dma_start3A_110 = tpu.memref_slice %arg8[%mul3A_86, %dma_start3A_109] : memref<163840x16xf32, #tpu.memory_space<hbm>> -> memref<128x16xf32, #tpu.memory_space<hbm>>
          tpu.enqueue_dma source(%arg15 : memref<128x16xf32, #tpu.memory_space<vmem>>) target(%dma_start3A_110 : memref<128x16xf32, #tpu.memory_space<hbm>>) target_semaphore(%run_scoped3A : memref<!tpu.dma_semaphore, #tpu.memory_space<semaphore_mem>>)
          %dma_wait3A_111 = arith.constant 0 : i32
          %dma_wait3A_112 = tpu.memref_slice %arg8[%mul3A_86, %dma_wait3A_111] : memref<163840x16xf32, #tpu.memory_space<hbm>> -> memref<128x16xf32, #tpu.memory_space<hbm>>
          %dma_wait3A_113 = arith.constant 0 : i32
          %dma_wait3A_114 = tpu.memref_slice %arg8[%mul3A_86, %dma_wait3A_113] : memref<163840x16xf32, #tpu.memory_space<hbm>> -> memref<128x16xf32, #tpu.memory_space<hbm>>
          tpu.wait_dma2 semaphore(%run_scoped3A : memref<!tpu.dma_semaphore, #tpu.memory_space<semaphore_mem>>) src(%arg15 : memref<128x16xf32, #tpu.memory_space<vmem>>) dst(%dma_wait3A_114 : memref<128x16xf32, #tpu.memory_space<hbm>>)
          tpu.yield
        }) : () -> ()
        %scan3A_106 = arith.constant 0 : i32
        scf.yield %scan3A_106 : i32
      }
      %scan3A_37 = arith.constant 4 : i32
      %scan3A_38 = arith.constant 0 : i32
      scf.yield %scan3A_38 : i32
    }
    %scan3A_6 = arith.constant 5 : i32
    return
  }
}

#map = affine_map<(d0, d1) -> (0, 0)>
module attributes {stable_mosaic.version = 14 : i64} {
  func.func @_sc_edge_body(%arg0: i32, %arg1: i32, %arg2: memref<10240x144xf32, #tpu.memory_space<hbm>>, %arg3: memref<10240x144xf32, #tpu.memory_space<hbm>>, %arg4: memref<2560x128xi32, #tpu.memory_space<hbm>>, %arg5: memref<2560x128xi32, #tpu.memory_space<hbm>>, %arg6: memref<163840x128xf32, #tpu.memory_space<hbm>>, %arg7: memref<163840x128xf32, #tpu.memory_space<hbm>>, %arg8: memref<163840x16xf32, #tpu.memory_space<hbm>>, %arg9: memref<8x128xi32, #tpu.memory_space<vmem>>, %arg10: memref<8x128xi32, #tpu.memory_space<vmem>>, %arg11: memref<128x144xf32, #tpu.memory_space<vmem>>, %arg12: memref<128x144xf32, #tpu.memory_space<vmem>>, %arg13: memref<128x144xf32, #tpu.memory_space<vmem>>, %arg14: memref<128x144xf32, #tpu.memory_space<vmem>>, %arg15: memref<128x16xf32, #tpu.memory_space<vmem>>, %arg16: memref<!tpu.dma_semaphore, #tpu.memory_space<semaphore_mem>>, %arg17: memref<!tpu.dma_semaphore, #tpu.memory_space<semaphore_mem>>, %arg18: memref<!tpu.dma_semaphore, #tpu.memory_space<semaphore_mem>>, %arg19: memref<!tpu.dma_semaphore, #tpu.memory_space<semaphore_mem>>) attributes {dimension_semantics = [#tpu.dimension_semantics<core_parallel>, #tpu.dimension_semantics<subcore_parallel>], iteration_bounds = array<i64: 2, 16>, scalar_prefetch = 0 : i64, scratch_operands = 11 : i64, tpu.core_type = #tpu.core_type<sc_vector_subcore>, window_params = [{transform_indices = #map}, {transform_indices = #map}, {transform_indices = #map}, {transform_indices = #map}, {transform_indices = #map}, {transform_indices = #map}, {transform_indices = #map}]} {
    %mul3A = arith.constant 16 : i32
    %mul3A_0 = arith.muli %arg0, %mul3A : i32
    %add3A = arith.addi %mul3A_0, %arg1 : i32
    %scan3A = arith.constant 0 : i32
    %scan3A_1 = arith.constant 0 : i32
    %scan3A_2 = arith.constant 5 : i32
    %scan3A_3 = arith.addi %scan3A_1, %scan3A_2 : i32
    %scan3A_4 = arith.constant 1 : i32
    %scan3A_5 = scf.for %scan3A_7 = %scan3A_1 to %scan3A_3 step %scan3A_4 iter_args(%scan3A_8 = %scan3A) -> (i32)  : i32 {
      %mul3A_9 = arith.constant 40 : i32
      %mul3A_10 = arith.muli %add3A, %mul3A_9 : i32
      %mul3A_11 = arith.constant 8 : i32
      %mul3A_12 = arith.muli %scan3A_7, %mul3A_11 : i32
      %add3A_13 = arith.addi %mul3A_10, %mul3A_12 : i32
      %add3A_14 = arith.constant 1280 : i32
      %add3A_15 = arith.addi %add3A_14, %add3A_13 : i32
      "tpu.region"() ({
        %run_scoped3A = tpu.sem_alloc : memref<!tpu.dma_semaphore, #tpu.memory_space<semaphore_mem>>
        %dma_start3A_39 = arith.constant 0 : i32
        %dma_start3A_40 = tpu.memref_slice %arg4[%add3A_15, %dma_start3A_39] : memref<2560x128xi32, #tpu.memory_space<hbm>> -> memref<8x128xi32, #tpu.memory_space<hbm>>
        %dma_start3A_41 = arith.constant 0 : i32
        %dma_start3A_42 = tpu.memref_slice %arg4[%add3A_15, %dma_start3A_41] : memref<2560x128xi32, #tpu.memory_space<hbm>> -> memref<8x128xi32, #tpu.memory_space<hbm>>
        tpu.enqueue_dma source(%dma_start3A_42 : memref<8x128xi32, #tpu.memory_space<hbm>>) target(%arg9 : memref<8x128xi32, #tpu.memory_space<vmem>>) target_semaphore(%run_scoped3A : memref<!tpu.dma_semaphore, #tpu.memory_space<semaphore_mem>>)
        %dma_wait3A = arith.constant 0 : i32
        %dma_wait3A_43 = tpu.memref_slice %arg4[%add3A_15, %dma_wait3A] : memref<2560x128xi32, #tpu.memory_space<hbm>> -> memref<8x128xi32, #tpu.memory_space<hbm>>
        %dma_wait3A_44 = arith.constant 0 : i32
        %dma_wait3A_45 = tpu.memref_slice %arg4[%add3A_15, %dma_wait3A_44] : memref<2560x128xi32, #tpu.memory_space<hbm>> -> memref<8x128xi32, #tpu.memory_space<hbm>>
        tpu.wait_dma2 semaphore(%run_scoped3A : memref<!tpu.dma_semaphore, #tpu.memory_space<semaphore_mem>>) src(%dma_wait3A_45 : memref<8x128xi32, #tpu.memory_space<hbm>>) dst(%arg9 : memref<8x128xi32, #tpu.memory_space<vmem>>)
        tpu.yield
      }) : () -> ()
      %add3A_16 = arith.constant 1280 : i32
      %add3A_17 = arith.addi %add3A_16, %add3A_13 : i32
      "tpu.region"() ({
        %run_scoped3A = tpu.sem_alloc : memref<!tpu.dma_semaphore, #tpu.memory_space<semaphore_mem>>
        %dma_start3A_39 = arith.constant 0 : i32
        %dma_start3A_40 = tpu.memref_slice %arg5[%add3A_17, %dma_start3A_39] : memref<2560x128xi32, #tpu.memory_space<hbm>> -> memref<8x128xi32, #tpu.memory_space<hbm>>
        %dma_start3A_41 = arith.constant 0 : i32
        %dma_start3A_42 = tpu.memref_slice %arg5[%add3A_17, %dma_start3A_41] : memref<2560x128xi32, #tpu.memory_space<hbm>> -> memref<8x128xi32, #tpu.memory_space<hbm>>
        tpu.enqueue_dma source(%dma_start3A_42 : memref<8x128xi32, #tpu.memory_space<hbm>>) target(%arg10 : memref<8x128xi32, #tpu.memory_space<vmem>>) target_semaphore(%run_scoped3A : memref<!tpu.dma_semaphore, #tpu.memory_space<semaphore_mem>>)
        %dma_wait3A = arith.constant 0 : i32
        %dma_wait3A_43 = tpu.memref_slice %arg5[%add3A_17, %dma_wait3A] : memref<2560x128xi32, #tpu.memory_space<hbm>> -> memref<8x128xi32, #tpu.memory_space<hbm>>
        %dma_wait3A_44 = arith.constant 0 : i32
        %dma_wait3A_45 = tpu.memref_slice %arg5[%add3A_17, %dma_wait3A_44] : memref<2560x128xi32, #tpu.memory_space<hbm>> -> memref<8x128xi32, #tpu.memory_space<hbm>>
        tpu.wait_dma2 semaphore(%run_scoped3A : memref<!tpu.dma_semaphore, #tpu.memory_space<semaphore_mem>>) src(%dma_wait3A_45 : memref<8x128xi32, #tpu.memory_space<hbm>>) dst(%arg10 : memref<8x128xi32, #tpu.memory_space<vmem>>)
        tpu.yield
      }) : () -> ()
      %dma_start3A = arith.constant 0 : i32
      %dma_start3A_18 = arith.constant 0 : i32
      %dma_start3A_19 = tpu.memref_slice %arg9[%dma_start3A, %dma_start3A_18] : memref<8x128xi32, #tpu.memory_space<vmem>> -> memref<1x128xi32, #tpu.memory_space<vmem>>
      %dma_start3A_20 = tpu.memref_squeeze %dma_start3A_19 : memref<1x128xi32, #tpu.memory_space<vmem>> -> memref<128xi32, #tpu.memory_space<vmem>>
      %dma_start3A_21 = arith.constant 0 : i32
      %dma_start3A_22 = arith.constant 0 : i32
      %dma_start3A_23 = tpu.memref_slice %arg2[%dma_start3A_21, %dma_start3A_22] : memref<10240x144xf32, #tpu.memory_space<hbm>> -> memref<10240x144xf32, #tpu.memory_space<hbm>>
      tpu.enqueue_indirect_dma source(%dma_start3A_23 : memref<10240x144xf32, #tpu.memory_space<hbm>>) target(%arg11 : memref<128x144xf32, #tpu.memory_space<vmem>>) offsets(%dma_start3A_20 : memref<128xi32, #tpu.memory_space<vmem>>) semaphore(%arg16 : memref<!tpu.dma_semaphore, #tpu.memory_space<semaphore_mem>>)
      %dma_start3A_24 = arith.constant 0 : i32
      %dma_start3A_25 = arith.constant 0 : i32
      %dma_start3A_26 = tpu.memref_slice %arg10[%dma_start3A_24, %dma_start3A_25] : memref<8x128xi32, #tpu.memory_space<vmem>> -> memref<1x128xi32, #tpu.memory_space<vmem>>
      %dma_start3A_27 = tpu.memref_squeeze %dma_start3A_26 : memref<1x128xi32, #tpu.memory_space<vmem>> -> memref<128xi32, #tpu.memory_space<vmem>>
      %dma_start3A_28 = arith.constant 0 : i32
      %dma_start3A_29 = arith.constant 0 : i32
      %dma_start3A_30 = tpu.memref_slice %arg3[%dma_start3A_28, %dma_start3A_29] : memref<10240x144xf32, #tpu.memory_space<hbm>> -> memref<10240x144xf32, #tpu.memory_space<hbm>>
      tpu.enqueue_indirect_dma source(%dma_start3A_30 : memref<10240x144xf32, #tpu.memory_space<hbm>>) target(%arg13 : memref<128x144xf32, #tpu.memory_space<vmem>>) offsets(%dma_start3A_27 : memref<128xi32, #tpu.memory_space<vmem>>) semaphore(%arg18 : memref<!tpu.dma_semaphore, #tpu.memory_space<semaphore_mem>>)
      %scan3A_31 = arith.constant 0 : i32
      %scan3A_32 = arith.constant 0 : i32
      %scan3A_33 = arith.constant 4 : i32
      %scan3A_34 = arith.addi %scan3A_32, %scan3A_33 : i32
      %scan3A_35 = arith.constant 1 : i32
      %scan3A_36 = scf.for %scan3A_39 = %scan3A_32 to %scan3A_34 step %scan3A_35 iter_args(%scan3A_40 = %scan3A_31) -> (i32)  : i32 {
        %mul3A_41 = arith.constant 2 : i32
        %mul3A_42 = arith.muli %mul3A_41, %scan3A_39 : i32
        %add3A_43 = arith.constant 1 : i32
        %add3A_44 = arith.addi %mul3A_42, %add3A_43 : i32
        %dma_start3A_45 = arith.constant 0 : i32
        %dma_start3A_46 = tpu.memref_slice %arg9[%add3A_44, %dma_start3A_45] : memref<8x128xi32, #tpu.memory_space<vmem>> -> memref<1x128xi32, #tpu.memory_space<vmem>>
        %dma_start3A_47 = tpu.memref_squeeze %dma_start3A_46 : memref<1x128xi32, #tpu.memory_space<vmem>> -> memref<128xi32, #tpu.memory_space<vmem>>
        %dma_start3A_48 = arith.constant 0 : i32
        %dma_start3A_49 = arith.constant 0 : i32
        %dma_start3A_50 = tpu.memref_slice %arg2[%dma_start3A_48, %dma_start3A_49] : memref<10240x144xf32, #tpu.memory_space<hbm>> -> memref<10240x144xf32, #tpu.memory_space<hbm>>
        tpu.enqueue_indirect_dma source(%dma_start3A_50 : memref<10240x144xf32, #tpu.memory_space<hbm>>) target(%arg12 : memref<128x144xf32, #tpu.memory_space<vmem>>) offsets(%dma_start3A_47 : memref<128xi32, #tpu.memory_space<vmem>>) semaphore(%arg17 : memref<!tpu.dma_semaphore, #tpu.memory_space<semaphore_mem>>)
        %dma_start3A_51 = arith.constant 0 : i32
        %dma_start3A_52 = tpu.memref_slice %arg10[%add3A_44, %dma_start3A_51] : memref<8x128xi32, #tpu.memory_space<vmem>> -> memref<1x128xi32, #tpu.memory_space<vmem>>
        %dma_start3A_53 = tpu.memref_squeeze %dma_start3A_52 : memref<1x128xi32, #tpu.memory_space<vmem>> -> memref<128xi32, #tpu.memory_space<vmem>>
        %dma_start3A_54 = arith.constant 0 : i32
        %dma_start3A_55 = arith.constant 0 : i32
        %dma_start3A_56 = tpu.memref_slice %arg3[%dma_start3A_54, %dma_start3A_55] : memref<10240x144xf32, #tpu.memory_space<hbm>> -> memref<10240x144xf32, #tpu.memory_space<hbm>>
        tpu.enqueue_indirect_dma source(%dma_start3A_56 : memref<10240x144xf32, #tpu.memory_space<hbm>>) target(%arg14 : memref<128x144xf32, #tpu.memory_space<vmem>>) offsets(%dma_start3A_53 : memref<128xi32, #tpu.memory_space<vmem>>) semaphore(%arg19 : memref<!tpu.dma_semaphore, #tpu.memory_space<semaphore_mem>>)
        %add3A_57 = arith.addi %add3A_13, %mul3A_42 : i32
        %mul3A_58 = arith.constant 128 : i32
        %mul3A_59 = arith.muli %add3A_57, %mul3A_58 : i32
        %dma_wait3A = arith.constant 0 : i32
        %dma_wait3A_60 = tpu.memref_slice %arg9[%mul3A_42, %dma_wait3A] : memref<8x128xi32, #tpu.memory_space<vmem>> -> memref<1x128xi32, #tpu.memory_space<vmem>>
        %dma_wait3A_61 = tpu.memref_squeeze %dma_wait3A_60 : memref<1x128xi32, #tpu.memory_space<vmem>> -> memref<128xi32, #tpu.memory_space<vmem>>
        %dma_wait3A_62 = arith.constant 0 : i32
        %dma_wait3A_63 = arith.constant 0 : i32
        %dma_wait3A_64 = tpu.memref_slice %arg2[%dma_wait3A_62, %dma_wait3A_63] : memref<10240x144xf32, #tpu.memory_space<hbm>> -> memref<10240x144xf32, #tpu.memory_space<hbm>>
        tpu.wait_indirect_dma semaphore(%arg16 : memref<!tpu.dma_semaphore, #tpu.memory_space<semaphore_mem>>) src(%dma_wait3A_64 : memref<10240x144xf32, #tpu.memory_space<hbm>>) dst(%arg11 : memref<128x144xf32, #tpu.memory_space<vmem>>)
        %dma_wait3A_65 = arith.constant 0 : i32
        %dma_wait3A_66 = tpu.memref_slice %arg10[%mul3A_42, %dma_wait3A_65] : memref<8x128xi32, #tpu.memory_space<vmem>> -> memref<1x128xi32, #tpu.memory_space<vmem>>
        %dma_wait3A_67 = tpu.memref_squeeze %dma_wait3A_66 : memref<1x128xi32, #tpu.memory_space<vmem>> -> memref<128xi32, #tpu.memory_space<vmem>>
        %dma_wait3A_68 = arith.constant 0 : i32
        %dma_wait3A_69 = arith.constant 0 : i32
        %dma_wait3A_70 = tpu.memref_slice %arg3[%dma_wait3A_68, %dma_wait3A_69] : memref<10240x144xf32, #tpu.memory_space<hbm>> -> memref<10240x144xf32, #tpu.memory_space<hbm>>
        tpu.wait_indirect_dma semaphore(%arg18 : memref<!tpu.dma_semaphore, #tpu.memory_space<semaphore_mem>>) src(%dma_wait3A_70 : memref<10240x144xf32, #tpu.memory_space<hbm>>) dst(%arg13 : memref<128x144xf32, #tpu.memory_space<vmem>>)
        "tpu.region"() ({
          %run_scoped3A = tpu.sem_alloc : memref<!tpu.dma_semaphore, #tpu.memory_space<semaphore_mem>>
          %dma_start3A_107 = arith.constant 0 : i32
          %dma_start3A_108 = arith.constant 0 : i32
          %dma_start3A_109 = tpu.memref_slice %arg11[%dma_start3A_107, %dma_start3A_108] : memref<128x144xf32, #tpu.memory_space<vmem>> -> memref<128x128xf32, #tpu.memory_space<vmem>>
          %dma_start3A_110 = arith.constant 0 : i32
          %dma_start3A_111 = tpu.memref_slice %arg6[%mul3A_59, %dma_start3A_110] : memref<163840x128xf32, #tpu.memory_space<hbm>> -> memref<128x128xf32, #tpu.memory_space<hbm>>
          %dma_start3A_112 = arith.constant 0 : i32
          %dma_start3A_113 = tpu.memref_slice %arg6[%mul3A_59, %dma_start3A_112] : memref<163840x128xf32, #tpu.memory_space<hbm>> -> memref<128x128xf32, #tpu.memory_space<hbm>>
          %dma_start3A_114 = arith.constant 0 : i32
          %dma_start3A_115 = arith.constant 0 : i32
          %dma_start3A_116 = tpu.memref_slice %arg11[%dma_start3A_114, %dma_start3A_115] : memref<128x144xf32, #tpu.memory_space<vmem>> -> memref<128x128xf32, #tpu.memory_space<vmem>>
          tpu.enqueue_dma source(%dma_start3A_116 : memref<128x128xf32, #tpu.memory_space<vmem>>) target(%dma_start3A_113 : memref<128x128xf32, #tpu.memory_space<hbm>>) target_semaphore(%run_scoped3A : memref<!tpu.dma_semaphore, #tpu.memory_space<semaphore_mem>>)
          %dma_wait3A_117 = arith.constant 0 : i32
          %dma_wait3A_118 = arith.constant 0 : i32
          %dma_wait3A_119 = tpu.memref_slice %arg11[%dma_wait3A_117, %dma_wait3A_118] : memref<128x144xf32, #tpu.memory_space<vmem>> -> memref<128x128xf32, #tpu.memory_space<vmem>>
          %dma_wait3A_120 = arith.constant 0 : i32
          %dma_wait3A_121 = tpu.memref_slice %arg6[%mul3A_59, %dma_wait3A_120] : memref<163840x128xf32, #tpu.memory_space<hbm>> -> memref<128x128xf32, #tpu.memory_space<hbm>>
          %dma_wait3A_122 = arith.constant 0 : i32
          %dma_wait3A_123 = tpu.memref_slice %arg6[%mul3A_59, %dma_wait3A_122] : memref<163840x128xf32, #tpu.memory_space<hbm>> -> memref<128x128xf32, #tpu.memory_space<hbm>>
          %dma_wait3A_124 = arith.constant 0 : i32
          %dma_wait3A_125 = arith.constant 0 : i32
          %dma_wait3A_126 = tpu.memref_slice %arg11[%dma_wait3A_124, %dma_wait3A_125] : memref<128x144xf32, #tpu.memory_space<vmem>> -> memref<128x128xf32, #tpu.memory_space<vmem>>
          tpu.wait_dma2 semaphore(%run_scoped3A : memref<!tpu.dma_semaphore, #tpu.memory_space<semaphore_mem>>) src(%dma_wait3A_126 : memref<128x128xf32, #tpu.memory_space<vmem>>) dst(%dma_wait3A_123 : memref<128x128xf32, #tpu.memory_space<hbm>>)
          tpu.yield
        }) : () -> ()
        "tpu.region"() ({
          %run_scoped3A = tpu.sem_alloc : memref<!tpu.dma_semaphore, #tpu.memory_space<semaphore_mem>>
          %dma_start3A_107 = arith.constant 0 : i32
          %dma_start3A_108 = arith.constant 0 : i32
          %dma_start3A_109 = tpu.memref_slice %arg13[%dma_start3A_107, %dma_start3A_108] : memref<128x144xf32, #tpu.memory_space<vmem>> -> memref<128x128xf32, #tpu.memory_space<vmem>>
          %dma_start3A_110 = arith.constant 0 : i32
          %dma_start3A_111 = tpu.memref_slice %arg7[%mul3A_59, %dma_start3A_110] : memref<163840x128xf32, #tpu.memory_space<hbm>> -> memref<128x128xf32, #tpu.memory_space<hbm>>
          %dma_start3A_112 = arith.constant 0 : i32
          %dma_start3A_113 = tpu.memref_slice %arg7[%mul3A_59, %dma_start3A_112] : memref<163840x128xf32, #tpu.memory_space<hbm>> -> memref<128x128xf32, #tpu.memory_space<hbm>>
          %dma_start3A_114 = arith.constant 0 : i32
          %dma_start3A_115 = arith.constant 0 : i32
          %dma_start3A_116 = tpu.memref_slice %arg13[%dma_start3A_114, %dma_start3A_115] : memref<128x144xf32, #tpu.memory_space<vmem>> -> memref<128x128xf32, #tpu.memory_space<vmem>>
          tpu.enqueue_dma source(%dma_start3A_116 : memref<128x128xf32, #tpu.memory_space<vmem>>) target(%dma_start3A_113 : memref<128x128xf32, #tpu.memory_space<hbm>>) target_semaphore(%run_scoped3A : memref<!tpu.dma_semaphore, #tpu.memory_space<semaphore_mem>>)
          %dma_wait3A_117 = arith.constant 0 : i32
          %dma_wait3A_118 = arith.constant 0 : i32
          %dma_wait3A_119 = tpu.memref_slice %arg13[%dma_wait3A_117, %dma_wait3A_118] : memref<128x144xf32, #tpu.memory_space<vmem>> -> memref<128x128xf32, #tpu.memory_space<vmem>>
          %dma_wait3A_120 = arith.constant 0 : i32
          %dma_wait3A_121 = tpu.memref_slice %arg7[%mul3A_59, %dma_wait3A_120] : memref<163840x128xf32, #tpu.memory_space<hbm>> -> memref<128x128xf32, #tpu.memory_space<hbm>>
          %dma_wait3A_122 = arith.constant 0 : i32
          %dma_wait3A_123 = tpu.memref_slice %arg7[%mul3A_59, %dma_wait3A_122] : memref<163840x128xf32, #tpu.memory_space<hbm>> -> memref<128x128xf32, #tpu.memory_space<hbm>>
          %dma_wait3A_124 = arith.constant 0 : i32
          %dma_wait3A_125 = arith.constant 0 : i32
          %dma_wait3A_126 = tpu.memref_slice %arg13[%dma_wait3A_124, %dma_wait3A_125] : memref<128x144xf32, #tpu.memory_space<vmem>> -> memref<128x128xf32, #tpu.memory_space<vmem>>
          tpu.wait_dma2 semaphore(%run_scoped3A : memref<!tpu.dma_semaphore, #tpu.memory_space<semaphore_mem>>) src(%dma_wait3A_126 : memref<128x128xf32, #tpu.memory_space<vmem>>) dst(%dma_wait3A_123 : memref<128x128xf32, #tpu.memory_space<hbm>>)
          tpu.yield
        }) : () -> ()
        %scan3A_71 = arith.constant 0 : i32
        %scan3A_72 = arith.constant 0 : i32
        %scan3A_73 = arith.constant 128 : i32
        %scan3A_74 = arith.addi %scan3A_72, %scan3A_73 : i32
        %scan3A_75 = arith.constant 1 : i32
        %scan3A_76 = scf.for %scan3A_107 = %scan3A_72 to %scan3A_74 step %scan3A_75 iter_args(%scan3A_108 = %scan3A_71) -> (i32)  : i32 {
          %get3A = arith.index_cast %scan3A_107 : i32 to index
          %get3A_109 = arith.constant 128 : index
          %get3A_110 = tpu.vector_load %arg11[%get3A, %get3A_109] {strides = array<i32>} : memref<128x144xf32, #tpu.memory_space<vmem>>, vector<1x16xf32>,
          %get3A_111 = vector.shape_cast %get3A_110 : vector<1x16xf32> to vector<16xf32>
          %get3A_112 = arith.index_cast %scan3A_107 : i32 to index
          %get3A_113 = arith.constant 128 : index
          %get3A_114 = tpu.vector_load %arg13[%get3A_112, %get3A_113] {strides = array<i32>} : memref<128x144xf32, #tpu.memory_space<vmem>>, vector<1x16xf32>,
          %get3A_115 = vector.shape_cast %get3A_114 : vector<1x16xf32> to vector<16xf32>
          %add3A_116 = arith.addf %get3A_111, %get3A_115 : vector<16xf32>
          %swap3A = arith.index_cast %scan3A_107 : i32 to index
          %swap3A_117 = arith.constant 0 : index
          %swap3A_118 = tpu.vector_load %arg15[%swap3A, %swap3A_117] {strides = array<i32>} : memref<128x16xf32, #tpu.memory_space<vmem>>, vector<1x16xf32>,
          %swap3A_119 = vector.shape_cast %swap3A_118 : vector<1x16xf32> to vector<16xf32>
          %swap3A_120 = vector.shape_cast %add3A_116 : vector<16xf32> to vector<1x16xf32>
          tpu.vector_store %arg15[%swap3A, %swap3A_117], %swap3A_120 {strides = array<i32>} : memref<128x16xf32, #tpu.memory_space<vmem>>, vector<1x16xf32>,
          %scan3A_121 = arith.constant 0 : i32
          scf.yield %scan3A_121 : i32
        }
        %scan3A_77 = arith.constant 128 : i32
        "tpu.region"() ({
          %run_scoped3A = tpu.sem_alloc : memref<!tpu.dma_semaphore, #tpu.memory_space<semaphore_mem>>
          %dma_start3A_107 = arith.constant 0 : i32
          %dma_start3A_108 = tpu.memref_slice %arg8[%mul3A_59, %dma_start3A_107] : memref<163840x16xf32, #tpu.memory_space<hbm>> -> memref<128x16xf32, #tpu.memory_space<hbm>>
          %dma_start3A_109 = arith.constant 0 : i32
          %dma_start3A_110 = tpu.memref_slice %arg8[%mul3A_59, %dma_start3A_109] : memref<163840x16xf32, #tpu.memory_space<hbm>> -> memref<128x16xf32, #tpu.memory_space<hbm>>
          tpu.enqueue_dma source(%arg15 : memref<128x16xf32, #tpu.memory_space<vmem>>) target(%dma_start3A_110 : memref<128x16xf32, #tpu.memory_space<hbm>>) target_semaphore(%run_scoped3A : memref<!tpu.dma_semaphore, #tpu.memory_space<semaphore_mem>>)
          %dma_wait3A_111 = arith.constant 0 : i32
          %dma_wait3A_112 = tpu.memref_slice %arg8[%mul3A_59, %dma_wait3A_111] : memref<163840x16xf32, #tpu.memory_space<hbm>> -> memref<128x16xf32, #tpu.memory_space<hbm>>
          %dma_wait3A_113 = arith.constant 0 : i32
          %dma_wait3A_114 = tpu.memref_slice %arg8[%mul3A_59, %dma_wait3A_113] : memref<163840x16xf32, #tpu.memory_space<hbm>> -> memref<128x16xf32, #tpu.memory_space<hbm>>
          tpu.wait_dma2 semaphore(%run_scoped3A : memref<!tpu.dma_semaphore, #tpu.memory_space<semaphore_mem>>) src(%arg15 : memref<128x16xf32, #tpu.memory_space<vmem>>) dst(%dma_wait3A_114 : memref<128x16xf32, #tpu.memory_space<hbm>>)
          tpu.yield
        }) : () -> ()
        %add3A_78 = arith.constant 2 : i32
        %add3A_79 = arith.addi %mul3A_42, %add3A_78 : i32
        %lt3A = arith.constant 8 : i32
        %lt3A_80 = arith.cmpi slt, %add3A_79, %lt3A : i32
        %convert_element_type3A = arith.extui %lt3A_80 : i1 to i32
        %cond3A = arith.constant 0 : i32
        %cond3A_81 = arith.cmpi ne, %convert_element_type3A, %cond3A : i32
        scf.if %cond3A_81 {
          %add3A_107 = arith.constant 2 : i32
          %add3A_108 = arith.addi %mul3A_42, %add3A_107 : i32
          %dma_start3A_109 = arith.constant 0 : i32
          %dma_start3A_110 = tpu.memref_slice %arg9[%add3A_108, %dma_start3A_109] : memref<8x128xi32, #tpu.memory_space<vmem>> -> memref<1x128xi32, #tpu.memory_space<vmem>>
          %dma_start3A_111 = tpu.memref_squeeze %dma_start3A_110 : memref<1x128xi32, #tpu.memory_space<vmem>> -> memref<128xi32, #tpu.memory_space<vmem>>
          %dma_start3A_112 = arith.constant 0 : i32
          %dma_start3A_113 = arith.constant 0 : i32
          %dma_start3A_114 = tpu.memref_slice %arg2[%dma_start3A_112, %dma_start3A_113] : memref<10240x144xf32, #tpu.memory_space<hbm>> -> memref<10240x144xf32, #tpu.memory_space<hbm>>
          tpu.enqueue_indirect_dma source(%dma_start3A_114 : memref<10240x144xf32, #tpu.memory_space<hbm>>) target(%arg11 : memref<128x144xf32, #tpu.memory_space<vmem>>) offsets(%dma_start3A_111 : memref<128xi32, #tpu.memory_space<vmem>>) semaphore(%arg16 : memref<!tpu.dma_semaphore, #tpu.memory_space<semaphore_mem>>)
          %dma_start3A_115 = arith.constant 0 : i32
          %dma_start3A_116 = tpu.memref_slice %arg10[%add3A_108, %dma_start3A_115] : memref<8x128xi32, #tpu.memory_space<vmem>> -> memref<1x128xi32, #tpu.memory_space<vmem>>
          %dma_start3A_117 = tpu.memref_squeeze %dma_start3A_116 : memref<1x128xi32, #tpu.memory_space<vmem>> -> memref<128xi32, #tpu.memory_space<vmem>>
          %dma_start3A_118 = arith.constant 0 : i32
          %dma_start3A_119 = arith.constant 0 : i32
          %dma_start3A_120 = tpu.memref_slice %arg3[%dma_start3A_118, %dma_start3A_119] : memref<10240x144xf32, #tpu.memory_space<hbm>> -> memref<10240x144xf32, #tpu.memory_space<hbm>>
          tpu.enqueue_indirect_dma source(%dma_start3A_120 : memref<10240x144xf32, #tpu.memory_space<hbm>>) target(%arg13 : memref<128x144xf32, #tpu.memory_space<vmem>>) offsets(%dma_start3A_117 : memref<128xi32, #tpu.memory_space<vmem>>) semaphore(%arg18 : memref<!tpu.dma_semaphore, #tpu.memory_space<semaphore_mem>>)
        } else {
        }
        %add3A_82 = arith.constant 1 : i32
        %add3A_83 = arith.addi %mul3A_42, %add3A_82 : i32
        %add3A_84 = arith.addi %add3A_13, %add3A_83 : i32
        %mul3A_85 = arith.constant 128 : i32
        %mul3A_86 = arith.muli %add3A_84, %mul3A_85 : i32
        %dma_wait3A_87 = arith.constant 0 : i32
        %dma_wait3A_88 = tpu.memref_slice %arg9[%add3A_83, %dma_wait3A_87] : memref<8x128xi32, #tpu.memory_space<vmem>> -> memref<1x128xi32, #tpu.memory_space<vmem>>
        %dma_wait3A_89 = tpu.memref_squeeze %dma_wait3A_88 : memref<1x128xi32, #tpu.memory_space<vmem>> -> memref<128xi32, #tpu.memory_space<vmem>>
        %dma_wait3A_90 = arith.constant 0 : i32
        %dma_wait3A_91 = arith.constant 0 : i32
        %dma_wait3A_92 = tpu.memref_slice %arg2[%dma_wait3A_90, %dma_wait3A_91] : memref<10240x144xf32, #tpu.memory_space<hbm>> -> memref<10240x144xf32, #tpu.memory_space<hbm>>
        tpu.wait_indirect_dma semaphore(%arg17 : memref<!tpu.dma_semaphore, #tpu.memory_space<semaphore_mem>>) src(%dma_wait3A_92 : memref<10240x144xf32, #tpu.memory_space<hbm>>) dst(%arg12 : memref<128x144xf32, #tpu.memory_space<vmem>>)
        %dma_wait3A_93 = arith.constant 0 : i32
        %dma_wait3A_94 = tpu.memref_slice %arg10[%add3A_83, %dma_wait3A_93] : memref<8x128xi32, #tpu.memory_space<vmem>> -> memref<1x128xi32, #tpu.memory_space<vmem>>
        %dma_wait3A_95 = tpu.memref_squeeze %dma_wait3A_94 : memref<1x128xi32, #tpu.memory_space<vmem>> -> memref<128xi32, #tpu.memory_space<vmem>>
        %dma_wait3A_96 = arith.constant 0 : i32
        %dma_wait3A_97 = arith.constant 0 : i32
        %dma_wait3A_98 = tpu.memref_slice %arg3[%dma_wait3A_96, %dma_wait3A_97] : memref<10240x144xf32, #tpu.memory_space<hbm>> -> memref<10240x144xf32, #tpu.memory_space<hbm>>
        tpu.wait_indirect_dma semaphore(%arg19 : memref<!tpu.dma_semaphore, #tpu.memory_space<semaphore_mem>>) src(%dma_wait3A_98 : memref<10240x144xf32, #tpu.memory_space<hbm>>) dst(%arg14 : memref<128x144xf32, #tpu.memory_space<vmem>>)
        "tpu.region"() ({
          %run_scoped3A = tpu.sem_alloc : memref<!tpu.dma_semaphore, #tpu.memory_space<semaphore_mem>>
          %dma_start3A_107 = arith.constant 0 : i32
          %dma_start3A_108 = arith.constant 0 : i32
          %dma_start3A_109 = tpu.memref_slice %arg12[%dma_start3A_107, %dma_start3A_108] : memref<128x144xf32, #tpu.memory_space<vmem>> -> memref<128x128xf32, #tpu.memory_space<vmem>>
          %dma_start3A_110 = arith.constant 0 : i32
          %dma_start3A_111 = tpu.memref_slice %arg6[%mul3A_86, %dma_start3A_110] : memref<163840x128xf32, #tpu.memory_space<hbm>> -> memref<128x128xf32, #tpu.memory_space<hbm>>
          %dma_start3A_112 = arith.constant 0 : i32
          %dma_start3A_113 = tpu.memref_slice %arg6[%mul3A_86, %dma_start3A_112] : memref<163840x128xf32, #tpu.memory_space<hbm>> -> memref<128x128xf32, #tpu.memory_space<hbm>>
          %dma_start3A_114 = arith.constant 0 : i32
          %dma_start3A_115 = arith.constant 0 : i32
          %dma_start3A_116 = tpu.memref_slice %arg12[%dma_start3A_114, %dma_start3A_115] : memref<128x144xf32, #tpu.memory_space<vmem>> -> memref<128x128xf32, #tpu.memory_space<vmem>>
          tpu.enqueue_dma source(%dma_start3A_116 : memref<128x128xf32, #tpu.memory_space<vmem>>) target(%dma_start3A_113 : memref<128x128xf32, #tpu.memory_space<hbm>>) target_semaphore(%run_scoped3A : memref<!tpu.dma_semaphore, #tpu.memory_space<semaphore_mem>>)
          %dma_wait3A_117 = arith.constant 0 : i32
          %dma_wait3A_118 = arith.constant 0 : i32
          %dma_wait3A_119 = tpu.memref_slice %arg12[%dma_wait3A_117, %dma_wait3A_118] : memref<128x144xf32, #tpu.memory_space<vmem>> -> memref<128x128xf32, #tpu.memory_space<vmem>>
          %dma_wait3A_120 = arith.constant 0 : i32
          %dma_wait3A_121 = tpu.memref_slice %arg6[%mul3A_86, %dma_wait3A_120] : memref<163840x128xf32, #tpu.memory_space<hbm>> -> memref<128x128xf32, #tpu.memory_space<hbm>>
          %dma_wait3A_122 = arith.constant 0 : i32
          %dma_wait3A_123 = tpu.memref_slice %arg6[%mul3A_86, %dma_wait3A_122] : memref<163840x128xf32, #tpu.memory_space<hbm>> -> memref<128x128xf32, #tpu.memory_space<hbm>>
          %dma_wait3A_124 = arith.constant 0 : i32
          %dma_wait3A_125 = arith.constant 0 : i32
          %dma_wait3A_126 = tpu.memref_slice %arg12[%dma_wait3A_124, %dma_wait3A_125] : memref<128x144xf32, #tpu.memory_space<vmem>> -> memref<128x128xf32, #tpu.memory_space<vmem>>
          tpu.wait_dma2 semaphore(%run_scoped3A : memref<!tpu.dma_semaphore, #tpu.memory_space<semaphore_mem>>) src(%dma_wait3A_126 : memref<128x128xf32, #tpu.memory_space<vmem>>) dst(%dma_wait3A_123 : memref<128x128xf32, #tpu.memory_space<hbm>>)
          tpu.yield
        }) : () -> ()
        "tpu.region"() ({
          %run_scoped3A = tpu.sem_alloc : memref<!tpu.dma_semaphore, #tpu.memory_space<semaphore_mem>>
          %dma_start3A_107 = arith.constant 0 : i32
          %dma_start3A_108 = arith.constant 0 : i32
          %dma_start3A_109 = tpu.memref_slice %arg14[%dma_start3A_107, %dma_start3A_108] : memref<128x144xf32, #tpu.memory_space<vmem>> -> memref<128x128xf32, #tpu.memory_space<vmem>>
          %dma_start3A_110 = arith.constant 0 : i32
          %dma_start3A_111 = tpu.memref_slice %arg7[%mul3A_86, %dma_start3A_110] : memref<163840x128xf32, #tpu.memory_space<hbm>> -> memref<128x128xf32, #tpu.memory_space<hbm>>
          %dma_start3A_112 = arith.constant 0 : i32
          %dma_start3A_113 = tpu.memref_slice %arg7[%mul3A_86, %dma_start3A_112] : memref<163840x128xf32, #tpu.memory_space<hbm>> -> memref<128x128xf32, #tpu.memory_space<hbm>>
          %dma_start3A_114 = arith.constant 0 : i32
          %dma_start3A_115 = arith.constant 0 : i32
          %dma_start3A_116 = tpu.memref_slice %arg14[%dma_start3A_114, %dma_start3A_115] : memref<128x144xf32, #tpu.memory_space<vmem>> -> memref<128x128xf32, #tpu.memory_space<vmem>>
          tpu.enqueue_dma source(%dma_start3A_116 : memref<128x128xf32, #tpu.memory_space<vmem>>) target(%dma_start3A_113 : memref<128x128xf32, #tpu.memory_space<hbm>>) target_semaphore(%run_scoped3A : memref<!tpu.dma_semaphore, #tpu.memory_space<semaphore_mem>>)
          %dma_wait3A_117 = arith.constant 0 : i32
          %dma_wait3A_118 = arith.constant 0 : i32
          %dma_wait3A_119 = tpu.memref_slice %arg14[%dma_wait3A_117, %dma_wait3A_118] : memref<128x144xf32, #tpu.memory_space<vmem>> -> memref<128x128xf32, #tpu.memory_space<vmem>>
          %dma_wait3A_120 = arith.constant 0 : i32
          %dma_wait3A_121 = tpu.memref_slice %arg7[%mul3A_86, %dma_wait3A_120] : memref<163840x128xf32, #tpu.memory_space<hbm>> -> memref<128x128xf32, #tpu.memory_space<hbm>>
          %dma_wait3A_122 = arith.constant 0 : i32
          %dma_wait3A_123 = tpu.memref_slice %arg7[%mul3A_86, %dma_wait3A_122] : memref<163840x128xf32, #tpu.memory_space<hbm>> -> memref<128x128xf32, #tpu.memory_space<hbm>>
          %dma_wait3A_124 = arith.constant 0 : i32
          %dma_wait3A_125 = arith.constant 0 : i32
          %dma_wait3A_126 = tpu.memref_slice %arg14[%dma_wait3A_124, %dma_wait3A_125] : memref<128x144xf32, #tpu.memory_space<vmem>> -> memref<128x128xf32, #tpu.memory_space<vmem>>
          tpu.wait_dma2 semaphore(%run_scoped3A : memref<!tpu.dma_semaphore, #tpu.memory_space<semaphore_mem>>) src(%dma_wait3A_126 : memref<128x128xf32, #tpu.memory_space<vmem>>) dst(%dma_wait3A_123 : memref<128x128xf32, #tpu.memory_space<hbm>>)
          tpu.yield
        }) : () -> ()
        %scan3A_99 = arith.constant 0 : i32
        %scan3A_100 = arith.constant 0 : i32
        %scan3A_101 = arith.constant 128 : i32
        %scan3A_102 = arith.addi %scan3A_100, %scan3A_101 : i32
        %scan3A_103 = arith.constant 1 : i32
        %scan3A_104 = scf.for %scan3A_107 = %scan3A_100 to %scan3A_102 step %scan3A_103 iter_args(%scan3A_108 = %scan3A_99) -> (i32)  : i32 {
          %get3A = arith.index_cast %scan3A_107 : i32 to index
          %get3A_109 = arith.constant 128 : index
          %get3A_110 = tpu.vector_load %arg12[%get3A, %get3A_109] {strides = array<i32>} : memref<128x144xf32, #tpu.memory_space<vmem>>, vector<1x16xf32>,
          %get3A_111 = vector.shape_cast %get3A_110 : vector<1x16xf32> to vector<16xf32>
          %get3A_112 = arith.index_cast %scan3A_107 : i32 to index
          %get3A_113 = arith.constant 128 : index
          %get3A_114 = tpu.vector_load %arg14[%get3A_112, %get3A_113] {strides = array<i32>} : memref<128x144xf32, #tpu.memory_space<vmem>>, vector<1x16xf32>,
          %get3A_115 = vector.shape_cast %get3A_114 : vector<1x16xf32> to vector<16xf32>
          %add3A_116 = arith.addf %get3A_111, %get3A_115 : vector<16xf32>
          %swap3A = arith.index_cast %scan3A_107 : i32 to index
          %swap3A_117 = arith.constant 0 : index
          %swap3A_118 = tpu.vector_load %arg15[%swap3A, %swap3A_117] {strides = array<i32>} : memref<128x16xf32, #tpu.memory_space<vmem>>, vector<1x16xf32>,
          %swap3A_119 = vector.shape_cast %swap3A_118 : vector<1x16xf32> to vector<16xf32>
          %swap3A_120 = vector.shape_cast %add3A_116 : vector<16xf32> to vector<1x16xf32>
          tpu.vector_store %arg15[%swap3A, %swap3A_117], %swap3A_120 {strides = array<i32>} : memref<128x16xf32, #tpu.memory_space<vmem>>, vector<1x16xf32>,
          %scan3A_121 = arith.constant 0 : i32
          scf.yield %scan3A_121 : i32
        }
        %scan3A_105 = arith.constant 128 : i32
        "tpu.region"() ({
          %run_scoped3A = tpu.sem_alloc : memref<!tpu.dma_semaphore, #tpu.memory_space<semaphore_mem>>
          %dma_start3A_107 = arith.constant 0 : i32
          %dma_start3A_108 = tpu.memref_slice %arg8[%mul3A_86, %dma_start3A_107] : memref<163840x16xf32, #tpu.memory_space<hbm>> -> memref<128x16xf32, #tpu.memory_space<hbm>>
          %dma_start3A_109 = arith.constant 0 : i32
          %dma_start3A_110 = tpu.memref_slice %arg8[%mul3A_86, %dma_start3A_109] : memref<163840x16xf32, #tpu.memory_space<hbm>> -> memref<128x16xf32, #tpu.memory_space<hbm>>
          tpu.enqueue_dma source(%arg15 : memref<128x16xf32, #tpu.memory_space<vmem>>) target(%dma_start3A_110 : memref<128x16xf32, #tpu.memory_space<hbm>>) target_semaphore(%run_scoped3A : memref<!tpu.dma_semaphore, #tpu.memory_space<semaphore_mem>>)
          %dma_wait3A_111 = arith.constant 0 : i32
          %dma_wait3A_112 = tpu.memref_slice %arg8[%mul3A_86, %dma_wait3A_111] : memref<163840x16xf32, #tpu.memory_space<hbm>> -> memref<128x16xf32, #tpu.memory_space<hbm>>
          %dma_wait3A_113 = arith.constant 0 : i32
          %dma_wait3A_114 = tpu.memref_slice %arg8[%mul3A_86, %dma_wait3A_113] : memref<163840x16xf32, #tpu.memory_space<hbm>> -> memref<128x16xf32, #tpu.memory_space<hbm>>
          tpu.wait_dma2 semaphore(%run_scoped3A : memref<!tpu.dma_semaphore, #tpu.memory_space<semaphore_mem>>) src(%arg15 : memref<128x16xf32, #tpu.memory_space<vmem>>) dst(%dma_wait3A_114 : memref<128x16xf32, #tpu.memory_space<hbm>>)
          tpu.yield
        }) : () -> ()
        %scan3A_106 = arith.constant 0 : i32
        scf.yield %scan3A_106 : i32
      }
      %scan3A_37 = arith.constant 4 : i32
      %scan3A_38 = arith.constant 0 : i32
      scf.yield %scan3A_38 : i32
    }
    %scan3A_6 = arith.constant 5 : i32
    return
  }
}

#map = affine_map<(d0, d1) -> (0, 0)>
module attributes {stable_mosaic.version = 14 : i64} {
  func.func @_sc_segsum_body(%arg0: i32, %arg1: i32, %arg2: memref<10240x144xf32, #tpu.memory_space<hbm>>, %arg3: memref<10240x144xf32, #tpu.memory_space<hbm>>, %arg4: memref<10240x144xf32, #tpu.memory_space<hbm>>, %arg5: memref<10240x144xf32, #tpu.memory_space<hbm>>, %arg6: memref<4096x80xi32, #tpu.memory_space<hbm>>, %arg7: memref<4096x80xi32, #tpu.memory_space<hbm>>, %arg8: memref<10240x144xf32, #tpu.memory_space<hbm>>, %arg9: memref<10240x144xf32, #tpu.memory_space<hbm>>, %arg10: memref<64x80xi32, #tpu.memory_space<vmem>>, %arg11: memref<64x80xi32, #tpu.memory_space<vmem>>, %arg12: memref<80x144xf32, #tpu.memory_space<vmem>>, %arg13: memref<80x144xf32, #tpu.memory_space<vmem>>, %arg14: memref<!tpu.dma_semaphore, #tpu.memory_space<semaphore_mem>>, %arg15: memref<!tpu.dma_semaphore, #tpu.memory_space<semaphore_mem>>, %arg16: memref<10240x144xf32, #tpu.memory_space<vmem_shared>>) attributes {dimension_semantics = [#tpu.dimension_semantics<core_parallel>, #tpu.dimension_semantics<subcore_parallel>], iteration_bounds = array<i64: 2, 16>, scalar_prefetch = 0 : i64, scratch_operands = 7 : i64, tpu.core_type = #tpu.core_type<sc_vector_subcore>, window_params = [{transform_indices = #map}, {transform_indices = #map}, {transform_indices = #map}, {transform_indices = #map}, {transform_indices = #map}, {transform_indices = #map}, {transform_indices = #map}, {transform_indices = #map}]} {
    %eq3A = arith.constant 0 : i32
    %eq3A_0 = arith.cmpi eq, %arg0, %eq3A : i32
    %convert_element_type3A = arith.extui %eq3A_0 : i1 to i32
    %cond3A = arith.constant 0 : i32
    %cond3A_1 = arith.cmpi ne, %convert_element_type3A, %cond3A : i32
    scf.if %cond3A_1 {
      %mul3A = arith.constant 640 : i32
      %mul3A_24 = arith.muli %arg1, %mul3A : i32
      %mul3A_25 = arith.constant 640 : i32
      %mul3A_26 = arith.muli %arg1, %mul3A_25 : i32
      "tpu.region"() ({
        %run_scoped3A = tpu.sem_alloc : memref<!tpu.dma_semaphore, #tpu.memory_space<semaphore_mem>>
        %dma_start3A = arith.constant 0 : i32
        %dma_start3A_27 = tpu.memref_slice %arg16[%mul3A_26, %dma_start3A] : memref<10240x144xf32, #tpu.memory_space<vmem_shared>> -> memref<640x144xf32, #tpu.memory_space<vmem_shared>>
        %dma_start3A_28 = arith.constant 0 : i32
        %dma_start3A_29 = tpu.memref_slice %arg4[%mul3A_24, %dma_start3A_28] : memref<10240x144xf32, #tpu.memory_space<hbm>> -> memref<640x144xf32, #tpu.memory_space<hbm>>
        tpu.enqueue_dma source(%dma_start3A_29 : memref<640x144xf32, #tpu.memory_space<hbm>>) target(%dma_start3A_27 : memref<640x144xf32, #tpu.memory_space<vmem_shared>>) target_semaphore(%run_scoped3A : memref<!tpu.dma_semaphore, #tpu.memory_space<semaphore_mem>>)
        %dma_wait3A = arith.constant 0 : i32
        %dma_wait3A_30 = tpu.memref_slice %arg16[%mul3A_26, %dma_wait3A] : memref<10240x144xf32, #tpu.memory_space<vmem_shared>> -> memref<640x144xf32, #tpu.memory_space<vmem_shared>>
        %dma_wait3A_31 = arith.constant 0 : i32
        %dma_wait3A_32 = tpu.memref_slice %arg4[%mul3A_24, %dma_wait3A_31] : memref<10240x144xf32, #tpu.memory_space<hbm>> -> memref<640x144xf32, #tpu.memory_space<hbm>>
        tpu.wait_dma2 semaphore(%run_scoped3A : memref<!tpu.dma_semaphore, #tpu.memory_space<semaphore_mem>>) src(%dma_wait3A_32 : memref<640x144xf32, #tpu.memory_space<hbm>>) dst(%dma_wait3A_30 : memref<640x144xf32, #tpu.memory_space<vmem_shared>>)
        tpu.yield
      }) : () -> ()
    } else {
    }
    %eq3A_2 = arith.constant 1 : i32
    %eq3A_3 = arith.cmpi eq, %arg0, %eq3A_2 : i32
    %convert_element_type3A_4 = arith.extui %eq3A_3 : i1 to i32
    %cond3A_5 = arith.constant 0 : i32
    %cond3A_6 = arith.cmpi ne, %convert_element_type3A_4, %cond3A_5 : i32
    scf.if %cond3A_6 {
      %mul3A = arith.constant 640 : i32
      %mul3A_24 = arith.muli %arg1, %mul3A : i32
      %mul3A_25 = arith.constant 640 : i32
      %mul3A_26 = arith.muli %arg1, %mul3A_25 : i32
      "tpu.region"() ({
        %run_scoped3A = tpu.sem_alloc : memref<!tpu.dma_semaphore, #tpu.memory_space<semaphore_mem>>
        %dma_start3A = arith.constant 0 : i32
        %dma_start3A_27 = tpu.memref_slice %arg16[%mul3A_26, %dma_start3A] : memref<10240x144xf32, #tpu.memory_space<vmem_shared>> -> memref<640x144xf32, #tpu.memory_space<vmem_shared>>
        %dma_start3A_28 = arith.constant 0 : i32
        %dma_start3A_29 = tpu.memref_slice %arg5[%mul3A_24, %dma_start3A_28] : memref<10240x144xf32, #tpu.memory_space<hbm>> -> memref<640x144xf32, #tpu.memory_space<hbm>>
        tpu.enqueue_dma source(%dma_start3A_29 : memref<640x144xf32, #tpu.memory_space<hbm>>) target(%dma_start3A_27 : memref<640x144xf32, #tpu.memory_space<vmem_shared>>) target_semaphore(%run_scoped3A : memref<!tpu.dma_semaphore, #tpu.memory_space<semaphore_mem>>)
        %dma_wait3A = arith.constant 0 : i32
        %dma_wait3A_30 = tpu.memref_slice %arg16[%mul3A_26, %dma_wait3A] : memref<10240x144xf32, #tpu.memory_space<vmem_shared>> -> memref<640x144xf32, #tpu.memory_space<vmem_shared>>
        %dma_wait3A_31 = arith.constant 0 : i32
        %dma_wait3A_32 = tpu.memref_slice %arg5[%mul3A_24, %dma_wait3A_31] : memref<10240x144xf32, #tpu.memory_space<hbm>> -> memref<640x144xf32, #tpu.memory_space<hbm>>
        tpu.wait_dma2 semaphore(%run_scoped3A : memref<!tpu.dma_semaphore, #tpu.memory_space<semaphore_mem>>) src(%dma_wait3A_32 : memref<640x144xf32, #tpu.memory_space<hbm>>) dst(%dma_wait3A_30 : memref<640x144xf32, #tpu.memory_space<vmem_shared>>)
        tpu.yield
      }) : () -> ()
    } else {
    }
    %barrier3A = arith.constant 0 : index
    tpu.barrier barrier_id(%barrier3A)
    %scan3A = arith.constant 0 : i32
    %scan3A_7 = arith.constant 0 : i32
    %scan3A_8 = arith.constant 4 : i32
    %scan3A_9 = arith.addi %scan3A_7, %scan3A_8 : i32
    %scan3A_10 = arith.constant 1 : i32
    %scan3A_11 = scf.for %scan3A_24 = %scan3A_7 to %scan3A_9 step %scan3A_10 iter_args(%scan3A_25 = %scan3A) -> (i32)  : i32 {
      %mul3A = arith.constant 256 : i32
      %mul3A_26 = arith.muli %arg1, %mul3A : i32
      %mul3A_27 = arith.constant 64 : i32
      %mul3A_28 = arith.muli %scan3A_24, %mul3A_27 : i32
      %add3A = arith.addi %mul3A_26, %mul3A_28 : i32
      "tpu.region"() ({
        %run_scoped3A = tpu.sem_alloc : memref<!tpu.dma_semaphore, #tpu.memory_space<semaphore_mem>>
        %dma_start3A = arith.constant 0 : i32
        %dma_start3A_47 = tpu.memref_slice %arg6[%add3A, %dma_start3A] : memref<4096x80xi32, #tpu.memory_space<hbm>> -> memref<64x80xi32, #tpu.memory_space<hbm>>
        %dma_start3A_48 = arith.constant 0 : i32
        %dma_start3A_49 = tpu.memref_slice %arg6[%add3A, %dma_start3A_48] : memref<4096x80xi32, #tpu.memory_space<hbm>> -> memref<64x80xi32, #tpu.memory_space<hbm>>
        tpu.enqueue_dma source(%dma_start3A_49 : memref<64x80xi32, #tpu.memory_space<hbm>>) target(%arg10 : memref<64x80xi32, #tpu.memory_space<vmem>>) target_semaphore(%run_scoped3A : memref<!tpu.dma_semaphore, #tpu.memory_space<semaphore_mem>>)
        %dma_wait3A = arith.constant 0 : i32
        %dma_wait3A_50 = tpu.memref_slice %arg6[%add3A, %dma_wait3A] : memref<4096x80xi32, #tpu.memory_space<hbm>> -> memref<64x80xi32, #tpu.memory_space<hbm>>
        %dma_wait3A_51 = arith.constant 0 : i32
        %dma_wait3A_52 = tpu.memref_slice %arg6[%add3A, %dma_wait3A_51] : memref<4096x80xi32, #tpu.memory_space<hbm>> -> memref<64x80xi32, #tpu.memory_space<hbm>>
        tpu.wait_dma2 semaphore(%run_scoped3A : memref<!tpu.dma_semaphore, #tpu.memory_space<semaphore_mem>>) src(%dma_wait3A_52 : memref<64x80xi32, #tpu.memory_space<hbm>>) dst(%arg10 : memref<64x80xi32, #tpu.memory_space<vmem>>)
        tpu.yield
      }) : () -> ()
      "tpu.region"() ({
        %run_scoped3A = tpu.sem_alloc : memref<!tpu.dma_semaphore, #tpu.memory_space<semaphore_mem>>
        %dma_start3A = arith.constant 0 : i32
        %dma_start3A_47 = tpu.memref_slice %arg7[%add3A, %dma_start3A] : memref<4096x80xi32, #tpu.memory_space<hbm>> -> memref<64x80xi32, #tpu.memory_space<hbm>>
        %dma_start3A_48 = arith.constant 0 : i32
        %dma_start3A_49 = tpu.memref_slice %arg7[%add3A, %dma_start3A_48] : memref<4096x80xi32, #tpu.memory_space<hbm>> -> memref<64x80xi32, #tpu.memory_space<hbm>>
        tpu.enqueue_dma source(%dma_start3A_49 : memref<64x80xi32, #tpu.memory_space<hbm>>) target(%arg11 : memref<64x80xi32, #tpu.memory_space<vmem>>) target_semaphore(%run_scoped3A : memref<!tpu.dma_semaphore, #tpu.memory_space<semaphore_mem>>)
        %dma_wait3A = arith.constant 0 : i32
        %dma_wait3A_50 = tpu.memref_slice %arg7[%add3A, %dma_wait3A] : memref<4096x80xi32, #tpu.memory_space<hbm>> -> memref<64x80xi32, #tpu.memory_space<hbm>>
        %dma_wait3A_51 = arith.constant 0 : i32
        %dma_wait3A_52 = tpu.memref_slice %arg7[%add3A, %dma_wait3A_51] : memref<4096x80xi32, #tpu.memory_space<hbm>> -> memref<64x80xi32, #tpu.memory_space<hbm>>
        tpu.wait_dma2 semaphore(%run_scoped3A : memref<!tpu.dma_semaphore, #tpu.memory_space<semaphore_mem>>) src(%dma_wait3A_52 : memref<64x80xi32, #tpu.memory_space<hbm>>) dst(%arg11 : memref<64x80xi32, #tpu.memory_space<vmem>>)
        tpu.yield
      }) : () -> ()
      %eq3A_29 = arith.constant 0 : i32
      %eq3A_30 = arith.cmpi eq, %arg0, %eq3A_29 : i32
      %convert_element_type3A_31 = arith.extui %eq3A_30 : i1 to i32
      %cond3A_32 = arith.constant 0 : i32
      %cond3A_33 = arith.cmpi ne, %convert_element_type3A_31, %cond3A_32 : i32
      scf.if %cond3A_33 {
        %dma_start3A = arith.constant 0 : i32
        %dma_start3A_47 = arith.constant 0 : i32
        %dma_start3A_48 = tpu.memref_slice %arg10[%dma_start3A, %dma_start3A_47] : memref<64x80xi32, #tpu.memory_space<vmem>> -> memref<1x80xi32, #tpu.memory_space<vmem>>
        %dma_start3A_49 = tpu.memref_squeeze %dma_start3A_48 : memref<1x80xi32, #tpu.memory_space<vmem>> -> memref<80xi32, #tpu.memory_space<vmem>>
        %dma_start3A_50 = arith.constant 0 : i32
        %dma_start3A_51 = arith.constant 0 : i32
        %dma_start3A_52 = tpu.memref_slice %arg2[%dma_start3A_50, %dma_start3A_51] : memref<10240x144xf32, #tpu.memory_space<hbm>> -> memref<10240x144xf32, #tpu.memory_space<hbm>>
        tpu.enqueue_indirect_dma source(%dma_start3A_52 : memref<10240x144xf32, #tpu.memory_space<hbm>>) target(%arg12 : memref<80x144xf32, #tpu.memory_space<vmem>>) offsets(%dma_start3A_49 : memref<80xi32, #tpu.memory_space<vmem>>) semaphore(%arg14 : memref<!tpu.dma_semaphore, #tpu.memory_space<semaphore_mem>>)
      } else {
      }
      %eq3A_34 = arith.constant 1 : i32
      %eq3A_35 = arith.cmpi eq, %arg0, %eq3A_34 : i32
      %convert_element_type3A_36 = arith.extui %eq3A_35 : i1 to i32
      %cond3A_37 = arith.constant 0 : i32
      %cond3A_38 = arith.cmpi ne, %convert_element_type3A_36, %cond3A_37 : i32
      scf.if %cond3A_38 {
        %dma_start3A = arith.constant 0 : i32
        %dma_start3A_47 = arith.constant 0 : i32
        %dma_start3A_48 = tpu.memref_slice %arg10[%dma_start3A, %dma_start3A_47] : memref<64x80xi32, #tpu.memory_space<vmem>> -> memref<1x80xi32, #tpu.memory_space<vmem>>
        %dma_start3A_49 = tpu.memref_squeeze %dma_start3A_48 : memref<1x80xi32, #tpu.memory_space<vmem>> -> memref<80xi32, #tpu.memory_space<vmem>>
        %dma_start3A_50 = arith.constant 0 : i32
        %dma_start3A_51 = arith.constant 0 : i32
        %dma_start3A_52 = tpu.memref_slice %arg3[%dma_start3A_50, %dma_start3A_51] : memref<10240x144xf32, #tpu.memory_space<hbm>> -> memref<10240x144xf32, #tpu.memory_space<hbm>>
        tpu.enqueue_indirect_dma source(%dma_start3A_52 : memref<10240x144xf32, #tpu.memory_space<hbm>>) target(%arg12 : memref<80x144xf32, #tpu.memory_space<vmem>>) offsets(%dma_start3A_49 : memref<80xi32, #tpu.memory_space<vmem>>) semaphore(%arg14 : memref<!tpu.dma_semaphore, #tpu.memory_space<semaphore_mem>>)
      } else {
      }
      %scan3A_39 = arith.constant 0 : i32
      %scan3A_40 = arith.constant 0 : i32
      %scan3A_41 = arith.constant 32 : i32
      %scan3A_42 = arith.addi %scan3A_40, %scan3A_41 : i32
      %scan3A_43 = arith.constant 1 : i32
      %scan3A_44 = scf.for %scan3A_47 = %scan3A_40 to %scan3A_42 step %scan3A_43 iter_args(%scan3A_48 = %scan3A_39) -> (i32)  : i32 {
        %mul3A_49 = arith.constant 2 : i32
        %mul3A_50 = arith.muli %mul3A_49, %scan3A_47 : i32
        %add3A_51 = arith.constant 1 : i32
        %add3A_52 = arith.addi %mul3A_50, %add3A_51 : i32
        %eq3A_53 = arith.constant 0 : i32
        %eq3A_54 = arith.cmpi eq, %arg0, %eq3A_53 : i32
        %convert_element_type3A_55 = arith.extui %eq3A_54 : i1 to i32
        %cond3A_56 = arith.constant 0 : i32
        %cond3A_57 = arith.cmpi ne, %convert_element_type3A_55, %cond3A_56 : i32
        scf.if %cond3A_57 {
          %dma_start3A = arith.constant 0 : i32
          %dma_start3A_83 = tpu.memref_slice %arg10[%add3A_52, %dma_start3A] : memref<64x80xi32, #tpu.memory_space<vmem>> -> memref<1x80xi32, #tpu.memory_space<vmem>>
          %dma_start3A_84 = tpu.memref_squeeze %dma_start3A_83 : memref<1x80xi32, #tpu.memory_space<vmem>> -> memref<80xi32, #tpu.memory_space<vmem>>
          %dma_start3A_85 = arith.constant 0 : i32
          %dma_start3A_86 = arith.constant 0 : i32
          %dma_start3A_87 = tpu.memref_slice %arg2[%dma_start3A_85, %dma_start3A_86] : memref<10240x144xf32, #tpu.memory_space<hbm>> -> memref<10240x144xf32, #tpu.memory_space<hbm>>
          tpu.enqueue_indirect_dma source(%dma_start3A_87 : memref<10240x144xf32, #tpu.memory_space<hbm>>) target(%arg13 : memref<80x144xf32, #tpu.memory_space<vmem>>) offsets(%dma_start3A_84 : memref<80xi32, #tpu.memory_space<vmem>>) semaphore(%arg15 : memref<!tpu.dma_semaphore, #tpu.memory_space<semaphore_mem>>)
        } else {
        }
        %eq3A_58 = arith.constant 1 : i32
        %eq3A_59 = arith.cmpi eq, %arg0, %eq3A_58 : i32
        %convert_element_type3A_60 = arith.extui %eq3A_59 : i1 to i32
        %cond3A_61 = arith.constant 0 : i32
        %cond3A_62 = arith.cmpi ne, %convert_element_type3A_60, %cond3A_61 : i32
        scf.if %cond3A_62 {
          %dma_start3A = arith.constant 0 : i32
          %dma_start3A_83 = tpu.memref_slice %arg10[%add3A_52, %dma_start3A] : memref<64x80xi32, #tpu.memory_space<vmem>> -> memref<1x80xi32, #tpu.memory_space<vmem>>
          %dma_start3A_84 = tpu.memref_squeeze %dma_start3A_83 : memref<1x80xi32, #tpu.memory_space<vmem>> -> memref<80xi32, #tpu.memory_space<vmem>>
          %dma_start3A_85 = arith.constant 0 : i32
          %dma_start3A_86 = arith.constant 0 : i32
          %dma_start3A_87 = tpu.memref_slice %arg3[%dma_start3A_85, %dma_start3A_86] : memref<10240x144xf32, #tpu.memory_space<hbm>> -> memref<10240x144xf32, #tpu.memory_space<hbm>>
          tpu.enqueue_indirect_dma source(%dma_start3A_87 : memref<10240x144xf32, #tpu.memory_space<hbm>>) target(%arg13 : memref<80x144xf32, #tpu.memory_space<vmem>>) offsets(%dma_start3A_84 : memref<80xi32, #tpu.memory_space<vmem>>) semaphore(%arg15 : memref<!tpu.dma_semaphore, #tpu.memory_space<semaphore_mem>>)
        } else {
        }
        %dma_wait3A = arith.constant 0 : i32
        %dma_wait3A_63 = tpu.memref_slice %arg10[%mul3A_50, %dma_wait3A] : memref<64x80xi32, #tpu.memory_space<vmem>> -> memref<1x80xi32, #tpu.memory_space<vmem>>
        %dma_wait3A_64 = tpu.memref_squeeze %dma_wait3A_63 : memref<1x80xi32, #tpu.memory_space<vmem>> -> memref<80xi32, #tpu.memory_space<vmem>>
        %dma_wait3A_65 = arith.constant 0 : i32
        %dma_wait3A_66 = arith.constant 0 : i32
        %dma_wait3A_67 = tpu.memref_slice %arg2[%dma_wait3A_65, %dma_wait3A_66] : memref<10240x144xf32, #tpu.memory_space<hbm>> -> memref<10240x144xf32, #tpu.memory_space<hbm>>
        tpu.wait_indirect_dma semaphore(%arg14 : memref<!tpu.dma_semaphore, #tpu.memory_space<semaphore_mem>>) src(%dma_wait3A_67 : memref<10240x144xf32, #tpu.memory_space<hbm>>) dst(%arg12 : memref<80x144xf32, #tpu.memory_space<vmem>>)
        "tpu.region"() ({
          %run_scoped3A = tpu.sem_alloc : memref<!tpu.dma_semaphore, #tpu.memory_space<semaphore_mem>>
          %dma_start3A = arith.constant 0 : i32
          %dma_start3A_83 = tpu.memref_slice %arg11[%mul3A_50, %dma_start3A] : memref<64x80xi32, #tpu.memory_space<vmem>> -> memref<1x80xi32, #tpu.memory_space<vmem>>
          %dma_start3A_84 = tpu.memref_squeeze %dma_start3A_83 : memref<1x80xi32, #tpu.memory_space<vmem>> -> memref<80xi32, #tpu.memory_space<vmem>>
          %dma_start3A_85 = arith.constant 0 : i32
          %dma_start3A_86 = arith.constant 0 : i32
          %dma_start3A_87 = tpu.memref_slice %arg16[%dma_start3A_85, %dma_start3A_86] : memref<10240x144xf32, #tpu.memory_space<vmem_shared>> -> memref<10240x144xf32, #tpu.memory_space<vmem_shared>>
          tpu.enqueue_indirect_dma source(%arg12 : memref<80x144xf32, #tpu.memory_space<vmem>>) target(%dma_start3A_87 : memref<10240x144xf32, #tpu.memory_space<vmem_shared>>) offsets(%dma_start3A_84 : memref<80xi32, #tpu.memory_space<vmem>>) semaphore(%run_scoped3A : memref<!tpu.dma_semaphore, #tpu.memory_space<semaphore_mem>>) {add = true}
          %dma_wait3A_88 = arith.constant 0 : i32
          %dma_wait3A_89 = tpu.memref_slice %arg11[%mul3A_50, %dma_wait3A_88] : memref<64x80xi32, #tpu.memory_space<vmem>> -> memref<1x80xi32, #tpu.memory_space<vmem>>
          %dma_wait3A_90 = tpu.memref_squeeze %dma_wait3A_89 : memref<1x80xi32, #tpu.memory_space<vmem>> -> memref<80xi32, #tpu.memory_space<vmem>>
          %dma_wait3A_91 = arith.constant 0 : i32
          %dma_wait3A_92 = arith.constant 0 : i32
          %dma_wait3A_93 = tpu.memref_slice %arg16[%dma_wait3A_91, %dma_wait3A_92] : memref<10240x144xf32, #tpu.memory_space<vmem_shared>> -> memref<10240x144xf32, #tpu.memory_space<vmem_shared>>
          tpu.wait_indirect_dma semaphore(%run_scoped3A : memref<!tpu.dma_semaphore, #tpu.memory_space<semaphore_mem>>) src(%arg12 : memref<80x144xf32, #tpu.memory_space<vmem>>) dst(%dma_wait3A_93 : memref<10240x144xf32, #tpu.memory_space<vmem_shared>>)
          tpu.yield
        }) : () -> ()
        %add3A_68 = arith.constant 2 : i32
        %add3A_69 = arith.addi %mul3A_50, %add3A_68 : i32
        %lt3A = arith.constant 64 : i32
        %lt3A_70 = arith.cmpi slt, %add3A_69, %lt3A : i32
        %convert_element_type3A_71 = arith.extui %lt3A_70 : i1 to i32
        %cond3A_72 = arith.constant 0 : i32
        %cond3A_73 = arith.cmpi ne, %convert_element_type3A_71, %cond3A_72 : i32
        scf.if %cond3A_73 {
          %add3A_83 = arith.constant 2 : i32
          %add3A_84 = arith.addi %mul3A_50, %add3A_83 : i32
          %eq3A_85 = arith.constant 0 : i32
          %eq3A_86 = arith.cmpi eq, %arg0, %eq3A_85 : i32
          %convert_element_type3A_87 = arith.extui %eq3A_86 : i1 to i32
          %cond3A_88 = arith.constant 0 : i32
          %cond3A_89 = arith.cmpi ne, %convert_element_type3A_87, %cond3A_88 : i32
          scf.if %cond3A_89 {
            %dma_start3A = arith.constant 0 : i32
            %dma_start3A_95 = tpu.memref_slice %arg10[%add3A_84, %dma_start3A] : memref<64x80xi32, #tpu.memory_space<vmem>> -> memref<1x80xi32, #tpu.memory_space<vmem>>
            %dma_start3A_96 = tpu.memref_squeeze %dma_start3A_95 : memref<1x80xi32, #tpu.memory_space<vmem>> -> memref<80xi32, #tpu.memory_space<vmem>>
            %dma_start3A_97 = arith.constant 0 : i32
            %dma_start3A_98 = arith.constant 0 : i32
            %dma_start3A_99 = tpu.memref_slice %arg2[%dma_start3A_97, %dma_start3A_98] : memref<10240x144xf32, #tpu.memory_space<hbm>> -> memref<10240x144xf32, #tpu.memory_space<hbm>>
            tpu.enqueue_indirect_dma source(%dma_start3A_99 : memref<10240x144xf32, #tpu.memory_space<hbm>>) target(%arg12 : memref<80x144xf32, #tpu.memory_space<vmem>>) offsets(%dma_start3A_96 : memref<80xi32, #tpu.memory_space<vmem>>) semaphore(%arg14 : memref<!tpu.dma_semaphore, #tpu.memory_space<semaphore_mem>>)
          } else {
          }
          %eq3A_90 = arith.constant 1 : i32
          %eq3A_91 = arith.cmpi eq, %arg0, %eq3A_90 : i32
          %convert_element_type3A_92 = arith.extui %eq3A_91 : i1 to i32
          %cond3A_93 = arith.constant 0 : i32
          %cond3A_94 = arith.cmpi ne, %convert_element_type3A_92, %cond3A_93 : i32
          scf.if %cond3A_94 {
            %dma_start3A = arith.constant 0 : i32
            %dma_start3A_95 = tpu.memref_slice %arg10[%add3A_84, %dma_start3A] : memref<64x80xi32, #tpu.memory_space<vmem>> -> memref<1x80xi32, #tpu.memory_space<vmem>>
            %dma_start3A_96 = tpu.memref_squeeze %dma_start3A_95 : memref<1x80xi32, #tpu.memory_space<vmem>> -> memref<80xi32, #tpu.memory_space<vmem>>
            %dma_start3A_97 = arith.constant 0 : i32
            %dma_start3A_98 = arith.constant 0 : i32
            %dma_start3A_99 = tpu.memref_slice %arg3[%dma_start3A_97, %dma_start3A_98] : memref<10240x144xf32, #tpu.memory_space<hbm>> -> memref<10240x144xf32, #tpu.memory_space<hbm>>
            tpu.enqueue_indirect_dma source(%dma_start3A_99 : memref<10240x144xf32, #tpu.memory_space<hbm>>) target(%arg12 : memref<80x144xf32, #tpu.memory_space<vmem>>) offsets(%dma_start3A_96 : memref<80xi32, #tpu.memory_space<vmem>>) semaphore(%arg14 : memref<!tpu.dma_semaphore, #tpu.memory_space<semaphore_mem>>)
          } else {
          }
        } else {
        }
        %dma_wait3A_74 = arith.constant 0 : i32
        %dma_wait3A_75 = tpu.memref_slice %arg10[%mul3A_50, %dma_wait3A_74] : memref<64x80xi32, #tpu.memory_space<vmem>> -> memref<1x80xi32, #tpu.memory_space<vmem>>
        %dma_wait3A_76 = tpu.memref_squeeze %dma_wait3A_75 : memref<1x80xi32, #tpu.memory_space<vmem>> -> memref<80xi32, #tpu.memory_space<vmem>>
        %dma_wait3A_77 = arith.constant 0 : i32
        %dma_wait3A_78 = arith.constant 0 : i32
        %dma_wait3A_79 = tpu.memref_slice %arg2[%dma_wait3A_77, %dma_wait3A_78] : memref<10240x144xf32, #tpu.memory_space<hbm>> -> memref<10240x144xf32, #tpu.memory_space<hbm>>
        tpu.wait_indirect_dma semaphore(%arg15 : memref<!tpu.dma_semaphore, #tpu.memory_space<semaphore_mem>>) src(%dma_wait3A_79 : memref<10240x144xf32, #tpu.memory_space<hbm>>) dst(%arg13 : memref<80x144xf32, #tpu.memory_space<vmem>>)
        %add3A_80 = arith.constant 1 : i32
        %add3A_81 = arith.addi %mul3A_50, %add3A_80 : i32
        "tpu.region"() ({
          %run_scoped3A = tpu.sem_alloc : memref<!tpu.dma_semaphore, #tpu.memory_space<semaphore_mem>>
          %dma_start3A = arith.constant 0 : i32
          %dma_start3A_83 = tpu.memref_slice %arg11[%add3A_81, %dma_start3A] : memref<64x80xi32, #tpu.memory_space<vmem>> -> memref<1x80xi32, #tpu.memory_space<vmem>>
          %dma_start3A_84 = tpu.memref_squeeze %dma_start3A_83 : memref<1x80xi32, #tpu.memory_space<vmem>> -> memref<80xi32, #tpu.memory_space<vmem>>
          %dma_start3A_85 = arith.constant 0 : i32
          %dma_start3A_86 = arith.constant 0 : i32
          %dma_start3A_87 = tpu.memref_slice %arg16[%dma_start3A_85, %dma_start3A_86] : memref<10240x144xf32, #tpu.memory_space<vmem_shared>> -> memref<10240x144xf32, #tpu.memory_space<vmem_shared>>
          tpu.enqueue_indirect_dma source(%arg13 : memref<80x144xf32, #tpu.memory_space<vmem>>) target(%dma_start3A_87 : memref<10240x144xf32, #tpu.memory_space<vmem_shared>>) offsets(%dma_start3A_84 : memref<80xi32, #tpu.memory_space<vmem>>) semaphore(%run_scoped3A : memref<!tpu.dma_semaphore, #tpu.memory_space<semaphore_mem>>) {add = true}
          %dma_wait3A_88 = arith.constant 0 : i32
          %dma_wait3A_89 = tpu.memref_slice %arg11[%add3A_81, %dma_wait3A_88] : memref<64x80xi32, #tpu.memory_space<vmem>> -> memref<1x80xi32, #tpu.memory_space<vmem>>
          %dma_wait3A_90 = tpu.memref_squeeze %dma_wait3A_89 : memref<1x80xi32, #tpu.memory_space<vmem>> -> memref<80xi32, #tpu.memory_space<vmem>>
          %dma_wait3A_91 = arith.constant 0 : i32
          %dma_wait3A_92 = arith.constant 0 : i32
          %dma_wait3A_93 = tpu.memref_slice %arg16[%dma_wait3A_91, %dma_wait3A_92] : memref<10240x144xf32, #tpu.memory_space<vmem_shared>> -> memref<10240x144xf32, #tpu.memory_space<vmem_shared>>
          tpu.wait_indirect_dma semaphore(%run_scoped3A : memref<!tpu.dma_semaphore, #tpu.memory_space<semaphore_mem>>) src(%arg13 : memref<80x144xf32, #tpu.memory_space<vmem>>) dst(%dma_wait3A_93 : memref<10240x144xf32, #tpu.memory_space<vmem_shared>>)
          tpu.yield
        }) : () -> ()
        %scan3A_82 = arith.constant 0 : i32
        scf.yield %scan3A_82 : i32
      }
      %scan3A_45 = arith.constant 32 : i32
      %scan3A_46 = arith.constant 0 : i32
      scf.yield %scan3A_46 : i32
    }
    %scan3A_12 = arith.constant 4 : i32
    %barrier3A_13 = arith.constant 0 : index
    tpu.barrier barrier_id(%barrier3A_13)
    %eq3A_14 = arith.constant 0 : i32
    %eq3A_15 = arith.cmpi eq, %arg0, %eq3A_14 : i32
    %convert_element_type3A_16 = arith.extui %eq3A_15 : i1 to i32
    %cond3A_17 = arith.constant 0 : i32
    %cond3A_18 = arith.cmpi ne, %convert_element_type3A_16, %cond3A_17 : i32
    scf.if %cond3A_18 {
      %mul3A = arith.constant 640 : i32
      %mul3A_24 = arith.muli %arg1, %mul3A : i32
      %mul3A_25 = arith.constant 640 : i32
      %mul3A_26 = arith.muli %arg1, %mul3A_25 : i32
      "tpu.region"() ({
        %run_scoped3A = tpu.sem_alloc : memref<!tpu.dma_semaphore, #tpu.memory_space<semaphore_mem>>
        %dma_start3A = arith.constant 0 : i32
        %dma_start3A_27 = tpu.memref_slice %arg8[%mul3A_26, %dma_start3A] : memref<10240x144xf32, #tpu.memory_space<hbm>> -> memref<640x144xf32, #tpu.memory_space<hbm>>
        %dma_start3A_28 = arith.constant 0 : i32
        %dma_start3A_29 = tpu.memref_slice %arg16[%mul3A_24, %dma_start3A_28] : memref<10240x144xf32, #tpu.memory_space<vmem_shared>> -> memref<640x144xf32, #tpu.memory_space<vmem_shared>>
        tpu.enqueue_dma source(%dma_start3A_29 : memref<640x144xf32, #tpu.memory_space<vmem_shared>>) target(%dma_start3A_27 : memref<640x144xf32, #tpu.memory_space<hbm>>) target_semaphore(%run_scoped3A : memref<!tpu.dma_semaphore, #tpu.memory_space<semaphore_mem>>)
        %dma_wait3A = arith.constant 0 : i32
        %dma_wait3A_30 = tpu.memref_slice %arg8[%mul3A_26, %dma_wait3A] : memref<10240x144xf32, #tpu.memory_space<hbm>> -> memref<640x144xf32, #tpu.memory_space<hbm>>
        %dma_wait3A_31 = arith.constant 0 : i32
        %dma_wait3A_32 = tpu.memref_slice %arg16[%mul3A_24, %dma_wait3A_31] : memref<10240x144xf32, #tpu.memory_space<vmem_shared>> -> memref<640x144xf32, #tpu.memory_space<vmem_shared>>
        tpu.wait_dma2 semaphore(%run_scoped3A : memref<!tpu.dma_semaphore, #tpu.memory_space<semaphore_mem>>) src(%dma_wait3A_32 : memref<640x144xf32, #tpu.memory_space<vmem_shared>>) dst(%dma_wait3A_30 : memref<640x144xf32, #tpu.memory_space<hbm>>)
        tpu.yield
      }) : () -> ()
    } else {
    }
    %eq3A_19 = arith.constant 1 : i32
    %eq3A_20 = arith.cmpi eq, %arg0, %eq3A_19 : i32
    %convert_element_type3A_21 = arith.extui %eq3A_20 : i1 to i32
    %cond3A_22 = arith.constant 0 : i32
    %cond3A_23 = arith.cmpi ne, %convert_element_type3A_21, %cond3A_22 : i32
    scf.if %cond3A_23 {
      %mul3A = arith.constant 640 : i32
      %mul3A_24 = arith.muli %arg1, %mul3A : i32
      %mul3A_25 = arith.constant 640 : i32
      %mul3A_26 = arith.muli %arg1, %mul3A_25 : i32
      "tpu.region"() ({
        %run_scoped3A = tpu.sem_alloc : memref<!tpu.dma_semaphore, #tpu.memory_space<semaphore_mem>>
        %dma_start3A = arith.constant 0 : i32
        %dma_start3A_27 = tpu.memref_slice %arg9[%mul3A_26, %dma_start3A] : memref<10240x144xf32, #tpu.memory_space<hbm>> -> memref<640x144xf32, #tpu.memory_space<hbm>>
        %dma_start3A_28 = arith.constant 0 : i32
        %dma_start3A_29 = tpu.memref_slice %arg16[%mul3A_24, %dma_start3A_28] : memref<10240x144xf32, #tpu.memory_space<vmem_shared>> -> memref<640x144xf32, #tpu.memory_space<vmem_shared>>
        tpu.enqueue_dma source(%dma_start3A_29 : memref<640x144xf32, #tpu.memory_space<vmem_shared>>) target(%dma_start3A_27 : memref<640x144xf32, #tpu.memory_space<hbm>>) target_semaphore(%run_scoped3A : memref<!tpu.dma_semaphore, #tpu.memory_space<semaphore_mem>>)
        %dma_wait3A = arith.constant 0 : i32
        %dma_wait3A_30 = tpu.memref_slice %arg9[%mul3A_26, %dma_wait3A] : memref<10240x144xf32, #tpu.memory_space<hbm>> -> memref<640x144xf32, #tpu.memory_space<hbm>>
        %dma_wait3A_31 = arith.constant 0 : i32
        %dma_wait3A_32 = tpu.memref_slice %arg16[%mul3A_24, %dma_wait3A_31] : memref<10240x144xf32, #tpu.memory_space<vmem_shared>> -> memref<640x144xf32, #tpu.memory_space<vmem_shared>>
        tpu.wait_dma2 semaphore(%run_scoped3A : memref<!tpu.dma_semaphore, #tpu.memory_space<semaphore_mem>>) src(%dma_wait3A_32 : memref<640x144xf32, #tpu.memory_space<vmem_shared>>) dst(%dma_wait3A_30 : memref<640x144xf32, #tpu.memory_space<hbm>>)
        tpu.yield
      }) : () -> ()
    } else {
    }
    return
  }
}

module attributes {stable_mosaic.version = 14 : i64} {
  func.func @_dense_pre_body(%arg0: i32, %arg1: memref<1024x128xf32, #tpu.memory_space<vmem>>, %arg2: memref<128x128xf32, #tpu.memory_space<vmem>>, %arg3: memref<1x128xf32, #tpu.memory_space<vmem>>, %arg4: memref<128x512xf32, #tpu.memory_space<vmem>>, %arg5: memref<1x512xf32, #tpu.memory_space<vmem>>, %arg6: memref<512x144xf32, #tpu.memory_space<vmem>>, %arg7: memref<512x144xf32, #tpu.memory_space<vmem>>, %arg8: memref<128x144xf32, #tpu.memory_space<vmem>>, %arg9: memref<128x144xf32, #tpu.memory_space<vmem>>, %arg10: memref<1x144xf32, #tpu.memory_space<vmem>>, %arg11: memref<1024x144xf32, #tpu.memory_space<vmem>>, %arg12: memref<1024x144xf32, #tpu.memory_space<vmem>>, %arg13: memref<1024x144xf32, #tpu.memory_space<vmem>>, %arg14: memref<1024x144xf32, #tpu.memory_space<vmem>>) attributes {dimension_semantics = [#tpu.dimension_semantics<arbitrary>], iteration_bounds = array<i64: 10>, scalar_prefetch = 0 : i64, scratch_operands = 0 : i64, tpu.core_type = #tpu.core_type<tc>, window_params = [{transform_indices = @transform_0, window_bounds = array<i64: 1024, 128>}, {pipeline_mode = #tpu.pipeline_mode<synchronous>, transform_indices = @transform_1, window_bounds = array<i64: 128, 128>}, {pipeline_mode = #tpu.pipeline_mode<synchronous>, transform_indices = @transform_2, window_bounds = array<i64: 1, 128>}, {pipeline_mode = #tpu.pipeline_mode<synchronous>, transform_indices = @transform_3, window_bounds = array<i64: 128, 512>}, {pipeline_mode = #tpu.pipeline_mode<synchronous>, transform_indices = @transform_4, window_bounds = array<i64: 1, 512>}, {pipeline_mode = #tpu.pipeline_mode<synchronous>, transform_indices = @transform_5, window_bounds = array<i64: 512, 144>}, {pipeline_mode = #tpu.pipeline_mode<synchronous>, transform_indices = @transform_6, window_bounds = array<i64: 512, 144>}, {pipeline_mode = #tpu.pipeline_mode<synchronous>, transform_indices = @transform_7, window_bounds = array<i64: 128, 144>}, {pipeline_mode = #tpu.pipeline_mode<synchronous>, transform_indices = @transform_8, window_bounds = array<i64: 128, 144>}, {pipeline_mode = #tpu.pipeline_mode<synchronous>, transform_indices = @transform_9, window_bounds = array<i64: 1, 144>}, {transform_indices = @transform_10, window_bounds = array<i64: 1024, 144>}, {transform_indices = @transform_11, window_bounds = array<i64: 1024, 144>}, {transform_indices = @transform_12, window_bounds = array<i64: 1024, 144>}, {transform_indices = @transform_13, window_bounds = array<i64: 1024, 144>}]} {
    %get3A = arith.constant 0 : index
    %get3A_0 = arith.constant 0 : index
    %get3A_1 = vector.load %arg1[%get3A, %get3A_0] : memref<1024x128xf32, #tpu.memory_space<vmem>>, vector<1024x128xf32>
    %get3A_2 = arith.constant 0 : index
    %get3A_3 = arith.constant 0 : index
    %get3A_4 = vector.load %arg2[%get3A_2, %get3A_3] : memref<128x128xf32, #tpu.memory_space<vmem>>, vector<128x128xf32>
    %dot_general3A = arith.constant dense<0.000000e+00> : vector<1024x128xf32>
    %dot_general3A_5 = tpu.matmul %get3A_1, %get3A_4, %dot_general3A {dimension_numbers = #tpu.dot_dimension_numbers<[1], [0], [0], [1], [0, 0, 1, 1], [], []>, transpose_lhs_hint = false} : vector<1024x128xf32>, vector<128x128xf32>, vector<1024x128xf32> -> vector<1024x128xf32>
    %get3A_6 = arith.constant 0 : index
    %get3A_7 = arith.constant 0 : index
    %get3A_8 = vector.load %arg3[%get3A_6, %get3A_7] : memref<1x128xf32, #tpu.memory_space<vmem>>, vector<1x128xf32>
    %add3A = vector.broadcast %get3A_8 : vector<1x128xf32> to vector<1024x128xf32>
    %add3A_9 = arith.addf %dot_general3A_5, %add3A : vector<1024x128xf32>
    %max3A = arith.constant 0.000000e+00 : f32
    %max3A_10 = vector.broadcast %max3A : f32 to vector<1024x128xf32>
    %max3A_11 = arith.maximumf %add3A_9, %max3A_10 : vector<1024x128xf32>
    %get3A_12 = arith.constant 0 : index
    %get3A_13 = arith.constant 0 : index
    %get3A_14 = vector.load %arg4[%get3A_12, %get3A_13] : memref<128x512xf32, #tpu.memory_space<vmem>>, vector<128x512xf32>
    %dot_general3A_15 = arith.constant dense<0.000000e+00> : vector<1024x512xf32>
    %dot_general3A_16 = tpu.matmul %max3A_11, %get3A_14, %dot_general3A_15 {dimension_numbers = #tpu.dot_dimension_numbers<[1], [0], [0], [1], [0, 0, 1, 1], [], []>, transpose_lhs_hint = false} : vector<1024x128xf32>, vector<128x512xf32>, vector<1024x512xf32> -> vector<1024x512xf32>
    %get3A_17 = arith.constant 0 : index
    %get3A_18 = arith.constant 0 : index
    %get3A_19 = vector.load %arg5[%get3A_17, %get3A_18] : memref<1x512xf32, #tpu.memory_space<vmem>>, vector<1x512xf32>
    %add3A_20 = vector.broadcast %get3A_19 : vector<1x512xf32> to vector<1024x512xf32>
    %add3A_21 = arith.addf %dot_general3A_16, %add3A_20 : vector<1024x512xf32>
    %get3A_22 = arith.constant 0 : index
    %get3A_23 = arith.constant 0 : index
    %get3A_24 = vector.load %arg6[%get3A_22, %get3A_23] : memref<512x144xf32, #tpu.memory_space<vmem>>, vector<512x144xf32>
    %dot_general3A_25 = arith.constant dense<0.000000e+00> : vector<1024x144xf32>
    %dot_general3A_26 = tpu.matmul %add3A_21, %get3A_24, %dot_general3A_25 {dimension_numbers = #tpu.dot_dimension_numbers<[1], [0], [0], [1], [0, 0, 1, 1], [], []>, transpose_lhs_hint = false} : vector<1024x512xf32>, vector<512x144xf32>, vector<1024x144xf32> -> vector<1024x144xf32>
    %swap3A = arith.constant 0 : index
    %swap3A_27 = arith.constant 0 : index
    %swap3A_28 = vector.load %arg11[%swap3A, %swap3A_27] : memref<1024x144xf32, #tpu.memory_space<vmem>>, vector<1024x144xf32>
    tpu.vector_store %arg11[%swap3A, %swap3A_27], %dot_general3A_26 {strides = array<i32>} : memref<1024x144xf32, #tpu.memory_space<vmem>>, vector<1024x144xf32>,
    %get3A_29 = arith.constant 0 : index
    %get3A_30 = arith.constant 0 : index
    %get3A_31 = vector.load %arg7[%get3A_29, %get3A_30] : memref<512x144xf32, #tpu.memory_space<vmem>>, vector<512x144xf32>
    %dot_general3A_32 = arith.constant dense<0.000000e+00> : vector<1024x144xf32>
    %dot_general3A_33 = tpu.matmul %add3A_21, %get3A_31, %dot_general3A_32 {dimension_numbers = #tpu.dot_dimension_numbers<[1], [0], [0], [1], [0, 0, 1, 1], [], []>, transpose_lhs_hint = false} : vector<1024x512xf32>, vector<512x144xf32>, vector<1024x144xf32> -> vector<1024x144xf32>
    %swap3A_34 = arith.constant 0 : index
    %swap3A_35 = arith.constant 0 : index
    %swap3A_36 = vector.load %arg12[%swap3A_34, %swap3A_35] : memref<1024x144xf32, #tpu.memory_space<vmem>>, vector<1024x144xf32>
    tpu.vector_store %arg12[%swap3A_34, %swap3A_35], %dot_general3A_33 {strides = array<i32>} : memref<1024x144xf32, #tpu.memory_space<vmem>>, vector<1024x144xf32>,
    %get3A_37 = arith.constant 0 : index
    %get3A_38 = arith.constant 0 : index
    %get3A_39 = vector.load %arg8[%get3A_37, %get3A_38] : memref<128x144xf32, #tpu.memory_space<vmem>>, vector<128x144xf32>
    %dot_general3A_40 = arith.constant dense<0.000000e+00> : vector<1024x144xf32>
    %dot_general3A_41 = tpu.matmul %get3A_1, %get3A_39, %dot_general3A_40 {dimension_numbers = #tpu.dot_dimension_numbers<[1], [0], [0], [1], [0, 0, 1, 1], [], []>, transpose_lhs_hint = false} : vector<1024x128xf32>, vector<128x144xf32>, vector<1024x144xf32> -> vector<1024x144xf32>
    %swap3A_42 = arith.constant 0 : index
    %swap3A_43 = arith.constant 0 : index
    %swap3A_44 = vector.load %arg13[%swap3A_42, %swap3A_43] : memref<1024x144xf32, #tpu.memory_space<vmem>>, vector<1024x144xf32>
    tpu.vector_store %arg13[%swap3A_42, %swap3A_43], %dot_general3A_41 {strides = array<i32>} : memref<1024x144xf32, #tpu.memory_space<vmem>>, vector<1024x144xf32>,
    %get3A_45 = arith.constant 0 : index
    %get3A_46 = arith.constant 0 : index
    %get3A_47 = vector.load %arg9[%get3A_45, %get3A_46] : memref<128x144xf32, #tpu.memory_space<vmem>>, vector<128x144xf32>
    %dot_general3A_48 = arith.constant dense<0.000000e+00> : vector<1024x144xf32>
    %dot_general3A_49 = tpu.matmul %get3A_1, %get3A_47, %dot_general3A_48 {dimension_numbers = #tpu.dot_dimension_numbers<[1], [0], [0], [1], [0, 0, 1, 1], [], []>, transpose_lhs_hint = false} : vector<1024x128xf32>, vector<128x144xf32>, vector<1024x144xf32> -> vector<1024x144xf32>
    %get3A_50 = arith.constant 0 : index
    %get3A_51 = arith.constant 0 : index
    %get3A_52 = vector.load %arg10[%get3A_50, %get3A_51] : memref<1x144xf32, #tpu.memory_space<vmem>>, vector<1x144xf32>
    %add3A_53 = vector.broadcast %get3A_52 : vector<1x144xf32> to vector<1024x144xf32>
    %add3A_54 = arith.addf %dot_general3A_49, %add3A_53 : vector<1024x144xf32>
    %swap3A_55 = arith.constant 0 : index
    %swap3A_56 = arith.constant 0 : index
    %swap3A_57 = vector.load %arg14[%swap3A_55, %swap3A_56] : memref<1024x144xf32, #tpu.memory_space<vmem>>, vector<1024x144xf32>
    tpu.vector_store %arg14[%swap3A_55, %swap3A_56], %add3A_54 {strides = array<i32>} : memref<1024x144xf32, #tpu.memory_space<vmem>>, vector<1024x144xf32>,
    return
  }
  func.func @transform_0(%arg0: i32) -> (i32, i32) {
    %c0_i32 = arith.constant 0 : i32
    %c0_i32_0 = arith.constant 0 : i32
    return %arg0, %c0_i32 : i32, i32
  }
  func.func @transform_1(%arg0: i32) -> (i32, i32) {
    %c0_i32 = arith.constant 0 : i32
    %c0_i32_0 = arith.constant 0 : i32
    %c0_i32_1 = arith.constant 0 : i32
    return %c0_i32, %c0_i32_0 : i32, i32
  }
  func.func @transform_2(%arg0: i32) -> (i32, i32) {
    %c0_i32 = arith.constant 0 : i32
    %c0_i32_0 = arith.constant 0 : i32
    %c0_i32_1 = arith.constant 0 : i32
    return %c0_i32, %c0_i32_0 : i32, i32
  }
  func.func @transform_3(%arg0: i32) -> (i32, i32) {
    %c0_i32 = arith.constant 0 : i32
    %c0_i32_0 = arith.constant 0 : i32
    %c0_i32_1 = arith.constant 0 : i32
    return %c0_i32, %c0_i32_0 : i32, i32
  }
  func.func @transform_4(%arg0: i32) -> (i32, i32) {
    %c0_i32 = arith.constant 0 : i32
    %c0_i32_0 = arith.constant 0 : i32
    %c0_i32_1 = arith.constant 0 : i32
    return %c0_i32, %c0_i32_0 : i32, i32
  }
  func.func @transform_5(%arg0: i32) -> (i32, i32) {
    %c0_i32 = arith.constant 0 : i32
    %c0_i32_0 = arith.constant 0 : i32
    %c0_i32_1 = arith.constant 0 : i32
    return %c0_i32, %c0_i32_0 : i32, i32
  }
  func.func @transform_6(%arg0: i32) -> (i32, i32) {
    %c0_i32 = arith.constant 0 : i32
    %c0_i32_0 = arith.constant 0 : i32
    %c0_i32_1 = arith.constant 0 : i32
    return %c0_i32, %c0_i32_0 : i32, i32
  }
  func.func @transform_7(%arg0: i32) -> (i32, i32) {
    %c0_i32 = arith.constant 0 : i32
    %c0_i32_0 = arith.constant 0 : i32
    %c0_i32_1 = arith.constant 0 : i32
    return %c0_i32, %c0_i32_0 : i32, i32
  }
  func.func @transform_8(%arg0: i32) -> (i32, i32) {
    %c0_i32 = arith.constant 0 : i32
    %c0_i32_0 = arith.constant 0 : i32
    %c0_i32_1 = arith.constant 0 : i32
    return %c0_i32, %c0_i32_0 : i32, i32
  }
  func.func @transform_9(%arg0: i32) -> (i32, i32) {
    %c0_i32 = arith.constant 0 : i32
    %c0_i32_0 = arith.constant 0 : i32
    %c0_i32_1 = arith.constant 0 : i32
    return %c0_i32, %c0_i32_0 : i32, i32
  }
  func.func @transform_10(%arg0: i32) -> (i32, i32) {
    %c0_i32 = arith.constant 0 : i32
    %c0_i32_0 = arith.constant 0 : i32
    return %arg0, %c0_i32 : i32, i32
  }
  func.func @transform_11(%arg0: i32) -> (i32, i32) {
    %c0_i32 = arith.constant 0 : i32
    %c0_i32_0 = arith.constant 0 : i32
    return %arg0, %c0_i32 : i32, i32
  }
  func.func @transform_12(%arg0: i32) -> (i32, i32) {
    %c0_i32 = arith.constant 0 : i32
    %c0_i32_0 = arith.constant 0 : i32
    return %arg0, %c0_i32 : i32, i32
  }
  func.func @transform_13(%arg0: i32) -> (i32, i32) {
    %c0_i32 = arith.constant 0 : i32
    %c0_i32_0 = arith.constant 0 : i32
    return %arg0, %c0_i32 : i32, i32
  }
}

module attributes {stable_mosaic.version = 14 : i64} {
  func.func @_final_body(%arg0: i32, %arg1: memref<2560x128xf32, #tpu.memory_space<vmem>>, %arg2: memref<2560x128xf32, #tpu.memory_space<vmem>>, %arg3: memref<2560x16xf32, #tpu.memory_space<vmem>>, %arg4: memref<128x16xf32, #tpu.memory_space<vmem>>, %arg5: memref<2560x16xf32, #tpu.memory_space<vmem>>) attributes {dimension_semantics = [#tpu.dimension_semantics<arbitrary>], iteration_bounds = array<i64: 64>, scalar_prefetch = 0 : i64, scratch_operands = 0 : i64, tpu.core_type = #tpu.core_type<tc>, window_params = [{transform_indices = @transform_0, window_bounds = array<i64: 2560, 128>}, {transform_indices = @transform_1, window_bounds = array<i64: 2560, 128>}, {transform_indices = @transform_2, window_bounds = array<i64: 2560, 16>}, {pipeline_mode = #tpu.pipeline_mode<synchronous>, transform_indices = @transform_3, window_bounds = array<i64: 128, 16>}, {transform_indices = @transform_4, window_bounds = array<i64: 2560, 16>}]} {
    %get3A = arith.constant 0 : index
    %get3A_0 = arith.constant 0 : index
    %get3A_1 = vector.load %arg1[%get3A, %get3A_0] : memref<2560x128xf32, #tpu.memory_space<vmem>>, vector<2560x128xf32>
    %get3A_2 = arith.constant 0 : index
    %get3A_3 = arith.constant 0 : index
    %get3A_4 = vector.load %arg2[%get3A_2, %get3A_3] : memref<2560x128xf32, #tpu.memory_space<vmem>>, vector<2560x128xf32>
    %add3A = arith.addf %get3A_1, %get3A_4 : vector<2560x128xf32>
    %max3A = arith.constant 0.000000e+00 : f32
    %max3A_5 = vector.broadcast %max3A : f32 to vector<2560x128xf32>
    %max3A_6 = arith.maximumf %add3A, %max3A_5 : vector<2560x128xf32>
    %get3A_7 = arith.constant 0 : index
    %get3A_8 = arith.constant 0 : index
    %get3A_9 = vector.load %arg4[%get3A_7, %get3A_8] : memref<128x16xf32, #tpu.memory_space<vmem>>, vector<128x16xf32>
    %dot_general3A = arith.constant dense<0.000000e+00> : vector<2560x16xf32>
    %dot_general3A_10 = tpu.matmul %max3A_6, %get3A_9, %dot_general3A {dimension_numbers = #tpu.dot_dimension_numbers<[1], [0], [0], [1], [0, 0, 1, 1], [], []>, transpose_lhs_hint = false} : vector<2560x128xf32>, vector<128x16xf32>, vector<2560x16xf32> -> vector<2560x16xf32>
    %get3A_11 = arith.constant 0 : index
    %get3A_12 = arith.constant 0 : index
    %get3A_13 = vector.load %arg3[%get3A_11, %get3A_12] : memref<2560x16xf32, #tpu.memory_space<vmem>>, vector<2560x16xf32>
    %add3A_14 = arith.addf %dot_general3A_10, %get3A_13 : vector<2560x16xf32>
    %swap3A = arith.constant 0 : index
    %swap3A_15 = arith.constant 0 : index
    %swap3A_16 = vector.load %arg5[%swap3A, %swap3A_15] : memref<2560x16xf32, #tpu.memory_space<vmem>>, vector<2560x16xf32>
    tpu.vector_store %arg5[%swap3A, %swap3A_15], %add3A_14 {strides = array<i32>} : memref<2560x16xf32, #tpu.memory_space<vmem>>, vector<2560x16xf32>,
    return
  }
  func.func @transform_0(%arg0: i32) -> (i32, i32) {
    %c0_i32 = arith.constant 0 : i32
    %c0_i32_0 = arith.constant 0 : i32
    return %arg0, %c0_i32 : i32, i32
  }
  func.func @transform_1(%arg0: i32) -> (i32, i32) {
    %c0_i32 = arith.constant 0 : i32
    %c0_i32_0 = arith.constant 0 : i32
    return %arg0, %c0_i32 : i32, i32
  }
  func.func @transform_2(%arg0: i32) -> (i32, i32) {
    %c0_i32 = arith.constant 0 : i32
    %c0_i32_0 = arith.constant 0 : i32
    return %arg0, %c0_i32 : i32, i32
  }
  func.func @transform_3(%arg0: i32) -> (i32, i32) {
    %c0_i32 = arith.constant 0 : i32
    %c0_i32_0 = arith.constant 0 : i32
    %c0_i32_1 = arith.constant 0 : i32
    return %c0_i32, %c0_i32_0 : i32, i32
  }
  func.func @transform_4(%arg0: i32) -> (i32, i32) {
    %c0_i32 = arith.constant 0 : i32
    %c0_i32_0 = arith.constant 0 : i32
    return %arg0, %c0_i32 : i32, i32
  }
}

module attributes {stable_mosaic.version = 14 : i64} {
  func.func @_final_half2_body(%arg0: i32, %arg1: memref<2560x128xf32, #tpu.memory_space<vmem>>, %arg2: memref<2560x128xf32, #tpu.memory_space<vmem>>, %arg3: memref<2560x16xf32, #tpu.memory_space<vmem>>, %arg4: memref<128x16xf32, #tpu.memory_space<vmem>>, %arg5: memref<320000x16xf32, #tpu.memory_space<any>>, %arg6: memref<2560x16xf32, #tpu.memory_space<vmem>>) attributes {dimension_semantics = [#tpu.dimension_semantics<arbitrary>], iteration_bounds = array<i64: 61>, scalar_prefetch = 0 : i64, scratch_operands = 0 : i64, tpu.core_type = #tpu.core_type<tc>, window_params = [{transform_indices = @transform_0, window_bounds = array<i64: 2560, 128>}, {transform_indices = @transform_1, window_bounds = array<i64: 2560, 128>}, {transform_indices = @transform_2, window_bounds = array<i64: 2560, 16>}, {pipeline_mode = #tpu.pipeline_mode<synchronous>, transform_indices = @transform_3, window_bounds = array<i64: 128, 16>}, {}, {transform_indices = @transform_5, window_bounds = array<i64: 2560, 16>}]} {
    %get3A = arith.constant 0 : index
    %get3A_0 = arith.constant 0 : index
    %get3A_1 = vector.load %arg1[%get3A, %get3A_0] : memref<2560x128xf32, #tpu.memory_space<vmem>>, vector<2560x128xf32>
    %get3A_2 = arith.constant 0 : index
    %get3A_3 = arith.constant 0 : index
    %get3A_4 = vector.load %arg2[%get3A_2, %get3A_3] : memref<2560x128xf32, #tpu.memory_space<vmem>>, vector<2560x128xf32>
    %add3A = arith.addf %get3A_1, %get3A_4 : vector<2560x128xf32>
    %max3A = arith.constant 0.000000e+00 : f32
    %max3A_5 = vector.broadcast %max3A : f32 to vector<2560x128xf32>
    %max3A_6 = arith.maximumf %add3A, %max3A_5 : vector<2560x128xf32>
    %get3A_7 = arith.constant 0 : index
    %get3A_8 = arith.constant 0 : index
    %get3A_9 = vector.load %arg4[%get3A_7, %get3A_8] : memref<128x16xf32, #tpu.memory_space<vmem>>, vector<128x16xf32>
    %dot_general3A = arith.constant dense<0.000000e+00> : vector<2560x16xf32>
    %dot_general3A_10 = tpu.matmul %max3A_6, %get3A_9, %dot_general3A {dimension_numbers = #tpu.dot_dimension_numbers<[1], [0], [0], [1], [0, 0, 1, 1], [], []>, transpose_lhs_hint = false} : vector<2560x128xf32>, vector<128x16xf32>, vector<2560x16xf32> -> vector<2560x16xf32>
    %get3A_11 = arith.constant 0 : index
    %get3A_12 = arith.constant 0 : index
    %get3A_13 = vector.load %arg3[%get3A_11, %get3A_12] : memref<2560x16xf32, #tpu.memory_space<vmem>>, vector<2560x16xf32>
    %add3A_14 = arith.addf %dot_general3A_10, %get3A_13 : vector<2560x16xf32>
    %swap3A = arith.constant 0 : index
    %swap3A_15 = arith.constant 0 : index
    %swap3A_16 = vector.load %arg6[%swap3A, %swap3A_15] : memref<2560x16xf32, #tpu.memory_space<vmem>>, vector<2560x16xf32>
    tpu.vector_store %arg6[%swap3A, %swap3A_15], %add3A_14 {strides = array<i32>} : memref<2560x16xf32, #tpu.memory_space<vmem>>, vector<2560x16xf32>,
    return
  }
  func.func @transform_0(%arg0: i32) -> (i32, i32) {
    %c0_i32 = arith.constant 0 : i32
    %c0_i32_0 = arith.constant 0 : i32
    return %arg0, %c0_i32 : i32, i32
  }
  func.func @transform_1(%arg0: i32) -> (i32, i32) {
    %c0_i32 = arith.constant 0 : i32
    %c0_i32_0 = arith.constant 0 : i32
    return %arg0, %c0_i32 : i32, i32
  }
  func.func @transform_2(%arg0: i32) -> (i32, i32) {
    %c0_i32 = arith.constant 0 : i32
    %c0_i32_0 = arith.constant 0 : i32
    return %arg0, %c0_i32 : i32, i32
  }
  func.func @transform_3(%arg0: i32) -> (i32, i32) {
    %c0_i32 = arith.constant 0 : i32
    %c0_i32_0 = arith.constant 0 : i32
    %c0_i32_1 = arith.constant 0 : i32
    return %c0_i32, %c0_i32_0 : i32, i32
  }
  func.func @transform_5(%arg0: i32) -> (i32, i32) {
    %add3A = arith.constant 64 : i32
    %add3A_0 = arith.addi %add3A, %arg0 : i32
    %c0_i32 = arith.constant 0 : i32
    %c0_i32_1 = arith.constant 0 : i32
    return %add3A_0, %c0_i32 : i32, i32
  }
}

</mosaic_0001>

<sc_bundles>
// kernel: kernel.11.cloned.1.call-start
scs
__scs_entry_jumppad:
0x0: {  	(pc) =	sbr.rel $0x88, $3  }
0x1: {  	(tag) =	ssettag $0x0;
	lr =	simm.s32 $0x1  }
0x2: {  	[smem:$0x3F97] =	sst lr;
	_ =	strace $0xD0000000  }
0x3: {  	_ = 	snop  }
0x4: {  	_ = 	snop  }
0x5: {  	_ = 	snop  }
0x6: {  	_ = 	snop  }
0x7: {  	_ = 	snop  }
__scs_overlays_trampoline_lowered:
0x8: {  	[smem:$0x3FA6] =	sst s0  }
0x9: {  	[smem:$0x3FA7] =	sst s1  }
0xa: {  	[smem:$0x3FA8] =	sst s2  }
0xb: {  	[smem:$0x3FA9] =	sst s3  }
0xc: {  	[smem:$0x3FAA] =	sst s4  }
0xd: {  	[smem:$0x3FAB] =	sst s5  }
0xe: {  	[smem:$0x3FAC] =	sst s6  }
0xf: {  	[smem:$0x3FAD] =	sst s7  }
0x10: {  	[smem:$0x3FAE] =	sst s8  }
0x11: {  	[smem:$0x3FAF] =	sst s9;
	s0 =	simm.s32 @!p0 $0x0  }
0x12: {  	s1 =	sld [smem:$0x3F95];
	s0 =	simm.s32 @p0 $0x1  }
0x13: {  	[smem:$0x3FB0] =	sst s0;
	s0 =	simm.s32 @!p1 $0x0  }
0x14: {  	s2 =	sld [smem:$0x3F94];
	s0 =	simm.s32 @p1 $0x1  }
0x15: {  	[smem:$0x3FB1] =	sst s0;
	s0 =	simm.s32 @!p2 $0x0  }
0x16: {  	s3 =	sld [smem:$0x3FDB];
	s0 =	simm.s32 @p2 $0x1  }
0x17: {  	s4 =	simm.s32 $0x1BF5;
	[smem:$0x3FB3] =	sst s0  }
0x18: {  	s0 =	sld [smem:$0x3F96];
	_ =	swait.ge [sflag:s4], $0x0  }
0x19: {  	s7 =	sld [smem:$0x3F97]  }
0x1a: {  	s8 =	sadd.s32 $0xFFFFE003, lr  }
0x1b: {  	s9 =	sadd.s32 $0xFFFFFEF7, lr;
	s5 =	simm.s32 $0xFFFFFFFF;
	p2 =	slt.u32 s8, $0xFFFFF086  }
0x1c: {  	p1 =	slt.u32 s9, $0xF7A;
	s5 =	simm.s32 @!p2 $0x0  }
0x1d: {  	s5 =	simm.s32 @p1 $0x1;
	p0 =	seq.s32 s7, s2  }
0x1e: {  	s7 =	smul.u32 @!p0 $0xF7A, s2;
	p2 =	seq.s32 @!p0 s5, $0x0  }
0x1f: {  	s9 =	smul.u32 $0xF7A, s1;
	s8 =	simm.s32 @!p0 $0x1BF5;
	p2 =	por !p2, p0  }
0x20: {  	[sflag:s8] =	ssyncset.s32 @!p0 $0xFFFFF086;
	s6 =	sadd.s32 @!p0 s3, s7;
	s7 =	simm.s32 @!p0 $0x108  }
0x21: {  	s3 =	sadd.s32 s3, s9;
	s6 =	sadd.s32 @!p0 $0x88, s6;
	s7 =	simm.s32 @p2 $0x1082  }
0x22: {  	[simem:s7], [sflag:s8] =	dma.local @!p0 [hbm:s6], $0xF7A  }
0x23: {  	s9 =	sor.u32 $0xD0000000, s2;
	s6 =	simm.s32 $0x108;
	_ =	swait.ge @!p0 [sflag:s8], $0x0  }
0x24: {  	s3 =	sadd.s32 $0x88, s3;
	s6 =	simm.s32 @!p1 $0x1082;
	[sflag:s4] =	ssyncset.s32 $0xFFFFF086  }
0x25: {  	[simem:s6], [sflag:s4] =	dma.local [hbm:s3], $0xF7A  }
0x26: {  	[smem:$0x3F97] =	sst s1;
	(tag) =	ssettag s2;
	_ =	strace s9  }
0x27: {  	s1 =	sld [smem:$0x3FA7]  }
0x28: {  	s2 =	sld [smem:$0x3FA8]  }
0x29: {  	s4 =	sld [smem:$0x3FAA]  }
0x2a: {  	p0 =	seq.s32 s5, $0x0;
	s5 =	sld [smem:$0x3FAB]  }
0x2b: {  	s6 =	sld [smem:$0x3FAC]  }
0x2c: {  	s7 =	sld [smem:$0x3FAD]  }
0x2d: {  	s3 =	simm.s32 $0x108;
	s8 =	sld [smem:$0x3FAE]  }
0x2e: {  	s3 =	simm.s32 @!p0 $0x1082;
	s9 =	sld [smem:$0x3FAF]  }
0x2f: {  	lr =	sadd.s32 s0, s3;
	s0 =	sld [smem:$0x3FA6]  }
0x30: {  	s3 =	sld [smem:$0x3FA9]  }
0x31: {  	[smem:$0x3FB2] =	sst s10  }
0x32: {  	s10 =	sld [smem:$0x3FB0];
	_ =	sdelay $0x3  }
0x33: {  	p0 =	seq.s32 s10, $0x1;
	s10 =	sld [smem:$0x3FB2];
	_ =	sdelay $0x3  }
0x34: {  	[smem:$0x3FB2] =	sst s10  }
0x35: {  	s10 =	sld [smem:$0x3FB1];
	_ =	sdelay $0x3  }
0x36: {  	p1 =	seq.s32 s10, $0x1;
	s10 =	sld [smem:$0x3FB2];
	_ =	sdelay $0x3  }
0x37: {  	[smem:$0x3FB2] =	sst s10  }
0x38: {  	s10 =	sld [smem:$0x3FB3]  }
0x39: {  	_ = 	snop;
	(pc) =	sbr.ind lr, $3  }
0x3a: {  	_ = 	snop  }
0x3b: {  	_ = 	snop  }
0x3c: {  	p2 =	seq.s32 s10, $0x1;
	s10 =	sld [smem:$0x3FB2]  }
0x3d: {  	_ =	shalt  }
0x3e: {  	_ =	shalt  }
0x3f: {  	_ =	shalt  }
0x40: {  	_ =	shalt  }
0x41: {  	_ =	shalt  }
0x42: {  	_ =	shalt  }
0x43: {  	_ =	shalt  }
0x44: {  	_ =	shalt  }
0x45: {  	_ =	shalt  }
0x46: {  	_ =	shalt  }
0x47: {  	_ =	shalt  }
0x48: {  	_ =	shalt  }
0x49: {  	_ =	shalt  }
0x4a: {  	_ =	shalt  }
0x4b: {  	_ =	shalt  }
0x4c: {  	_ =	shalt  }
0x4d: {  	_ =	shalt  }
0x4e: {  	_ =	shalt  }
0x4f: {  	_ =	shalt  }
0x50: {  	_ =	shalt  }
0x51: {  	_ =	shalt  }
0x52: {  	_ =	shalt  }
0x53: {  	_ =	shalt  }
0x54: {  	_ =	shalt  }
0x55: {  	_ =	shalt  }
0x56: {  	_ =	shalt  }
0x57: {  	_ =	shalt  }
0x58: {  	_ =	shalt  }
0x59: {  	_ =	shalt  }
0x5a: {  	_ =	shalt  }
0x5b: {  	_ =	shalt  }
0x5c: {  	_ =	shalt  }
0x5d: {  	_ =	shalt  }
0x5e: {  	_ =	shalt  }
0x5f: {  	_ =	shalt  }
0x60: {  	_ =	shalt  }
0x61: {  	_ =	shalt  }
0x62: {  	_ =	shalt  }
0x63: {  	_ =	shalt  }
0x64: {  	_ =	shalt  }
0x65: {  	_ =	shalt  }
0x66: {  	_ =	shalt  }
0x67: {  	_ =	shalt  }
0x68: {  	_ =	shalt  }
0x69: {  	_ =	shalt  }
0x6a: {  	_ =	shalt  }
0x6b: {  	_ =	shalt  }
0x6c: {  	_ =	shalt  }
0x6d: {  	_ =	shalt  }
0x6e: {  	_ =	shalt  }
0x6f: {  	_ =	shalt  }
0x70: {  	_ =	shalt  }
0x71: {  	_ =	shalt  }
0x72: {  	_ =	shalt  }
0x73: {  	_ =	shalt  }
0x74: {  	_ =	shalt  }
0x75: {  	_ =	shalt  }
0x76: {  	_ =	shalt  }
0x77: {  	_ =	shalt  }
0x78: {  	_ =	shalt  }
0x79: {  	_ =	shalt  }
0x7a: {  	_ =	shalt  }
0x7b: {  	_ =	shalt  }
0x7c: {  	_ =	shalt  }
0x7d: {  	_ =	shalt  }
0x7e: {  	_ =	shalt  }
0x7f: {  	_ =	shalt  }
0x80: {  	_ =	shalt  }
0x81: {  	_ =	shalt  }
0x82: {  	_ =	shalt  }
0x83: {  	_ =	shalt  }
0x84: {  	_ =	shalt  }
0x85: {  	_ =	shalt  }
0x86: {  	_ =	shalt  }
0x87: {  	_ =	shalt  }
.Lfunc_end0:
.L_simem_size_0:
called_computation.1_lowered:
.L_overlay_start_0:
0x88: {  	s2 =	sld [smem:$0x3FD9]  }
0x89: {  	s3 =	sld [smem:$0x3FFE];
	_ =	sdelay $0x1  }
0x8a: {  	s1 =	srdreg.scid  }
0x8b: {  	s0 =	sand.u32 $0x1, s1  }
0x8c: {  	s16 =	sshll.u32 s0, $0xA;
	s2 =	sadd.s32 s3, s2  }
0x8d: {  	s2 =	sadd.s32 s2, s16  }
0x8e: {  	[smem:$0x3FBE] =	sst s2  }
0x8f: {  	_ = 	snop  }
0x90: {  	(tm) =	ssettm $0x1  }
0x91: {  	s17 =	sld [smem:$0x3FFB];
	_ =	sdelay $0x3  }
0x92: {  	_ =	strace s17  }
0x93: {  	s2 =	sld [smem:$0x3FFC];
	_ =	sdelay $0x3  }
0x94: {  	_ =	strace s2  }
0x95: {  	s2 =	sld [smem:$0x3FFD];
	_ =	sdelay $0x3  }
0x96: {  	_ =	strace s2  }
0x97: {  	_ =	strace $0x8FFFFFFF  }
0x98: {  	s18 =	sld [smem:$0x3FDB];
	_ =	sdelay $0x1  }
0x99: {  	s19 =	simm.s32 $_scs_section_size  }
0x9a: {  	s4 =	simm.s32 $_size__tile_overlayer_lowered;
	s5 =	simm.s32 $_tile_overlayer_lowered  }
0x9b: {  	s22 =	simm.s32 $0x1BFF;
	s21 =	sshll.u32 s5, $0x1;
	s2 =	sadd.s32 s19, s18  }
0x9c: {  	s6 =	simm.s32 $0x0;
	s20 =	sshll.u32 s4, $0x1;
	s4 =	sadd.s32 s21, s2  }
0x9d: {  	[timem:s6], [sflag:s22] =	dma.local [hbm:s4], s20  }
0x9e: {  	_ =	swait.ge [sflag:s22], s20  }
0x9f: {  	s3 =	ssub.s32 $0x0, s20;
	[sflag:s22] =	ssyncset.done $0x0  }
0xa0: {  	[sflag:s22] =	ssyncadd.s32 s3;
	_ =	sdelay $0x1  }
0xa1: {  	s23 =	simm.s32 $0x1B8B  }
0xa2: {  	_ =	swait.ge [sflag:s23], $0x1  }
0xa3: {  	[sflag:s23] =	ssyncset.done $0x0  }
0xa4: {  	s25 =	simm.s32 $0x1B8E;
	s24 =	sld [smem:$0x3FFE];
	[sflag:s23] =	ssyncadd.s32 $0xFFFFFFFF  }
0xa5: {  	s26 =	simm.s32 $execute0_lowered;
	[smem:$0x3FD2] =	sst s25  }
0xa6: {  	s4 =	sshll.u32 s26, $0x1;
	_ =	strace $0x80000049;
	[dreg:$0x1] =	wrdreg $0xFFFFFFFF  }
0xa7: {  	s28 =	simm.s32 $_size_execute0_lowered;
	s2 =	sadd.s32 s2, s4;
	[dreg:$0x0] =	wrdreg $0x0  }
0xa8: {  	s4 =	sshll.u32 s28, $0x1;
	[dreg:$0x2] =	wrdreg s2  }
0xa9: {  	[dreg:$0x3] =	wrdreg s4  }
0xaa: {  	[dreg:$0x4] =	wrdreg $0xC0  }
0xab: {  	_ =	task [dreg:s6], $0x5FFFF  }
0xac: {  	[dreg:$0x1] =	wrdreg $0xFFFFFFFF  }
0xad: {  	[dreg:$0x0] =	wrdreg $0x60  }
0xae: {  	[dreg:$0x2] =	wrdreg s24  }
0xaf: {  	[dreg:$0x3] =	wrdreg $0x9  }
0xb0: {  	_ =	task.clear_ibuf [dreg:s6], $0x4FFFF;
	_ =	strace $0x90000049  }
0xb1: {  	s29 =	simm.s32 $0x9;
	_ =	strace $0x8000004B  }
0xb2: {  	_ =	swait.ge [sflag:s29], $0x1  }
0xb3: {  	[sflag:s29] =	ssyncadd.s32 $0xFFFFFFFF  }
0xb4: {  	_ =	strace $0x9000004B  }
0xb5: {  	_ =	sfence  }
0xb6: {  	s30 =	sld [smem:$0x0];
	_ =	sdelay $0x2  }
0xb7: {  	s31 =	sshll.u32 s1, $0xD;
	s1 =	sshrl.u32 s1, $0x2  }
0xb8: {  	s3 =	sand.u32 $0x4000, s31;
	s1 =	sadd.s32 s1, s30  }
0xb9: {  	s0 =	sor.u32 s3, s0;
	s1 =	sshll.u32 s1, $0x11  }
0xba: {  	s0 =	sor.u32 s1, s0  }
0xbb: {  	s0 =	sadd.s32 $0x8F2B, s0  }
0xbc: {  	[sflag:s0] =	ssyncadd.remote.s32 $0x1  }
0xbd: {  	_ =	sfence.sel $0xFFFF  }
0xbe: {  	[dreg:$0x0] =	wrdreg $0xFFFFFFFF;
	(pc) =	sbr.abs _section_cstart, $3  }
0xbf: {  	[dreg:$0x1] =	wrdreg $0xFFFFFFFF  }
0xc0: {  	_ =	task.clear_ibuf [dreg:s6], $0x2FFFF;
	_ =	strace $0x9FFFFFFF  }
0xc1: {  	(tm) =	ssettm $0x7FFFFFFF  }
tec
execute0_lowered:
.L_overlay_start_1:
0x0: {  	(tag) =	ssettag $0x1  }
0x1: {  	s0 =	rddreg [dreg:$0x0]  }
0x2: {  	s1 =	simm.s32 $0x0;
	s6 =	srdreg.scid;
	s12 =	stileid.u32  }
0x3: {  	s13 =	simm.s32 $0x400;
	s14 =	simm.s32 $0x80;
	s16 =	simm.s32 $0x9800  }
0x4: {  	s17 =	simm.s32 $0x5000;
	s18 =	simm.s32 $0xE000;
	s19 =	simm.s32 $0x1  }
0x5: {  	s20 =	simm.s32 $0x3;
	s21 =	simm.s32 $0x12800;
	s22 =	simm.s32 $0x2  }
0x6: {  	s23 =	simm.s32 $0x4;
	[smem:$0x7FF] =	sst s1;
	s2 =	sadd.s32 $0x71600, s0  }
0x7: {  	s3 =	sadd.s32 $0xD0600, s0;
	s4 =	sadd.s32 $0x5D600, s0;
	s6 =	sand.u32 $0x1, s6  }
0x8: {  	s5 =	sadd.s32 $0x67600, s0;
	s7 =	sadd.s32 $0xFD600, s0;
	s10 =	ssub.s32 $0x2, s6  }
0x9: {  	s8 =	sadd.s32 $0x37D600, s0;
	s9 =	sadd.s32 $0x3600, s0;
	s11 =	sshrl.u32 s10, $0x1  }
0xa: {  	_ =	strace $0x8000004A;
	s6 =	sshll.u32 s6, $0x4;
	s31 =	ssub.s32 s10, s11  }
0xb: {  	s6 =	sor.u32 s12, s6;
	s12 =	simm.s32 $0x5;
	s0 =	smax.u32 s31, $0x1  }
0xc: {  	s10 =	smul.u32 $0x28, s6;
	s6 =	simm.s32 $0x0;
	[dreg:$0x2] =	wrdreg s0  }
.LBB2_1:
0xd: {  	[dreg:$0x3] =	wrdreg s6;
	s25 =	simm.s32 $0x0  }
.LBB2_2:
0xe: {  	s0 =	sshll.u32 s25, $0x3  }
0xf: {  	s26 =	sadd.s32 s10, s0  }
0x10: {  	s0 =	sshll.u32 s26, $0x4  }
0x11: {  	s28 =	simm.s32 $0x0;
	s6 =	sadd.s32 s4, s0  }
0x12: {  	[tilespmem:s28], [sflag:$0x5] =	stream.linear.gather [hbm4b:s6+s28], $0x400, $0x38;
	[tilespmem:$0x13000] =	vst v63  }
0x13: {  	_ =	swait.ge [sflag:s12], $0x400  }
0x14: {  	[sflag:s12] =	ssyncset.done $0x0  }
0x15: {  	s0 =	sadd.s32 s5, s0;
	[sflag:s12] =	ssyncadd.s32 $0xFFFFFC00  }
0x16: {  	[tilespmem:s13], [sflag:$0x5] =	stream.linear.gather [hbm4b:s0+s28], $0x400, $0x38;
	[tilespmem:$0x13000] =	vst v63  }
0x17: {  	_ =	swait.ge [sflag:s12], $0x400  }
0x18: {  	[sflag:s12] =	ssyncset.done $0x0  }
0x19: {  	s31 =	simm.s32 $0x800;
	[sflag:s12] =	ssyncadd.s32 $0xFFFFFC00  }
0x1a: {  	[tilespmem:s31], [sflag:$0x1] =	stream.indirect.gather [hbm4b:s2+s14], $0x90, s28, s14, $0xb8;
	[tilespmem:$0x13000] =	vst v63  }
0x1b: {  	_ = 	snop  }
0x1c: {  	[tilespmem:s16], [sflag:$0x3] =	stream.indirect.gather [hbm4b:s3+s14], $0x90, s13, s14, $0xb8;
	[tilespmem:$0x13000] =	vst v63  }
.LBB2_3:
0x1d: {  	s29 =	sshllo.u32 s28, $0x1  }
0x1e: {  	s0 =	sshll.u32 s29, $0x7  }
0x1f: {  	[tilespmem:s17], [sflag:$0x2] =	stream.indirect.gather [hbm4b:s2+s14], $0x90, s0, s14, $0xb8;
	[tilespmem:$0x13000] =	vst v63  }
0x20: {  	s0 =	sadd.s32 $0x400, s0  }
0x21: {  	[tilespmem:s18], [sflag:$0x4] =	stream.indirect.gather [hbm4b:s3+s14], $0x90, s0, s14, $0xb8;
	[tilespmem:$0x13000] =	vst v63  }
0x22: {  	_ =	swait.ge [sflag:s19], $0x4800  }
0x23: {  	s24 =	sshll.u32 s28, $0x1;
	[sflag:s19] =	ssyncset.done $0x0  }
0x24: {  	s30 =	sor.u32 s26, s24;
	[sflag:s19] =	ssyncadd.s32 $0xFFFFB800  }
0x25: {  	s6 =	simm.s32 $0x800;
	s31 =	sshll.u32 s30, $0xB;
	_ =	swait.ge [sflag:s20], $0x4800  }
0x26: {  	s11 =	simm.s32 $0x10;
	s0 =	sadd.s32 s7, s31;
	[sflag:s20] =	ssyncset.done $0x0  }
0x27: {  	s24 =	simm.s32 $0x890;
	s15 =	sadd.s32 $0x0, s0;
	[sflag:s20] =	ssyncadd.s32 $0xFFFFB800  }
.LBB2_4:
0x28: {  	[hbm4b:s15+s1] =	stream.linear.scatter [tilespmem:s6], [sflag:$0x5], $0x80, $0x38;
	[tilespmem:$0x13000] =	vst v63  }
0x29: {  	s15 =	smov.u32 s11;
	s6 =	smov.u32 s24;
	p0 =	sne.s32 s11, $0x7F0  }
.Ltmp0:
0x2a: {  	s11 =	sadd.s32 $0x10, s11;
	(pc) =	sbr.rel @p0 .LBB2_4-.Ltmp0, $2  }
0x2b: {  	_ =	sdelay $0x2  }
0x2c: {  	s24 =	sadd.s32 $0x90, s24;
	s15 =	sadd.s32 s15, s0  }
0x2d: {  	[hbm4b:s15+s1] =	stream.linear.scatter [tilespmem:s6], [sflag:$0x5], $0x80, $0x38;
	[tilespmem:$0x13000] =	vst v63  }
0x2e: {  	s0 =	sadd.s32 s8, s31;
	_ =	swait.ge [sflag:s12], $0x4000  }
0x2f: {  	s6 =	simm.s32 $0x9800;
	s11 =	simm.s32 $0x10;
	[sflag:s12] =	ssyncset.done $0x0  }
0x30: {  	s24 =	simm.s32 $0x9890;
	s15 =	sadd.s32 $0x0, s0;
	[sflag:s12] =	ssyncadd.s32 $0xFFFFC000  }
.LBB2_6:
0x31: {  	[hbm4b:s15+s1] =	stream.linear.scatter [tilespmem:s6], [sflag:$0x5], $0x80, $0x38;
	[tilespmem:$0x13000] =	vst v63  }
0x32: {  	s15 =	smov.u32 s11;
	s6 =	smov.u32 s24;
	p0 =	sne.s32 s11, $0x7F0  }
.Ltmp1:
0x33: {  	s11 =	sadd.s32 $0x10, s11;
	(pc) =	sbr.rel @p0 .LBB2_6-.Ltmp1, $2  }
0x34: {  	_ =	sdelay $0x2  }
0x35: {  	s24 =	sadd.s32 $0x90, s24;
	s15 =	sadd.s32 s15, s0  }
0x36: {  	[hbm4b:s15+s1] =	stream.linear.scatter [tilespmem:s6], [sflag:$0x5], $0x80, $0x38;
	[tilespmem:$0x13000] =	vst v63  }
0x37: {  	_ =	swait.ge [sflag:s12], $0x4000  }
0x38: {  	[sflag:s12] =	ssyncset.done $0x0  }
0x39: {  	s0 =	simm.s32 $0x80;
	[sflag:s12] =	ssyncadd.s32 $0xFFFFC000  }
0x3a: {  	v0 =	vld [tilespmem:s0+$0x9800]  }
0x3b: {  	v1 =	vld [tilespmem:s0+$0x800];
	_ =	sdelay $0x4  }
0x3c: {  	v0 =	vadd.f32 v0, v1  }
0x3d: {  	s31 =	simm.s32 $0x12800  }
0x3e: {  	s6 =	simm.s32 $0x110;
	[tilespmem:s31+$0x0] =	vst v0  }
0x3f: {  	s0 =	simm.s32 $0x680;
	v0 =	vld [tilespmem:s6+$0x9800]  }
.LBB2_8:
0x40: {  	p0 =	sne.s32 s0, $0x11FC0;
	v1 =	vld [tilespmem:s6+$0x800];
	_ =	sdelay $0x3  }
.Ltmp2:
0x41: {  	(pc) =	sbr.rel @p0 .LBB2_8-.Ltmp2, $4  }
0x42: {  	v0 =	vadd.f32 v0, v1  }
0x43: {  	s31 =	sadd.s32 $0x10, s31  }
0x44: {  	s6 =	sshra.s32 s0, $0x2;
	[tilespmem:s31+$0x0] =	vst v0  }
0x45: {  	s0 =	sadd.s32 $0x240, s0;
	v0 =	vld [tilespmem:s6+$0x9800]  }
0x46: {  	v1 =	vld [tilespmem:s6+$0x800];
	_ =	sdelay $0x4  }
0x47: {  	v0 =	vadd.f32 v0, v1  }
0x48: {  	s0 =	sadd.s32 $0x10, s31;
	s15 =	sshll.u32 s30, $0x8  }
0x49: {  	s24 =	sadd.s32 s9, s15;
	[tilespmem:s0+$0x0] =	vst v0  }
0x4a: {  	[hbm4b:s24+s1] =	stream.linear.scatter [tilespmem:s21], [sflag:$0x5], $0x800, $0x38;
	[tilespmem:$0x13000] =	vst v63  }
0x4b: {  	p0 =	seq.s32 s28, $0x3;
	_ =	swait.ge [sflag:s12], $0x800  }
0x4c: {  	s11 =	simm.s32 @!p0 $0x80;
	s0 =	sshll.u32 @!p0 s28, $0x8;
	[sflag:s12] =	ssyncset.done $0x0  }
0x4d: {  	s15 =	simm.s32 @!p0 $0x800;
	s6 =	sadd.s32 @!p0 $0x100, s0;
	[sflag:s12] =	ssyncadd.s32 $0xFFFFF800  }
0x4e: {  	[tilespmem:s15], [sflag:$0x1] =	stream.indirect.gather @!p0 [hbm4b:s2+s11], $0x90, s6, s11, $0xb8;
	[tilespmem:$0x13000] =	vst v63  }
0x4f: {  	s0 =	sadd.s32 @!p0 $0x500, s0;
	s6 =	simm.s32 @!p0 $0x9800  }
0x50: {  	[tilespmem:s6], [sflag:$0x3] =	stream.indirect.gather @!p0 [hbm4b:s3+s11], $0x90, s0, s11, $0xb8;
	[tilespmem:$0x13000] =	vst v63  }
0x51: {  	_ =	swait.ge [sflag:s22], $0x4800  }
0x52: {  	s29 =	sor.u32 s26, s29;
	[sflag:s22] =	ssyncset.done $0x0  }
0x53: {  	s31 =	sshll.u32 s29, $0xB;
	[sflag:s22] =	ssyncadd.s32 $0xFFFFB800  }
0x54: {  	s30 =	sand.u32 $0x1FFFF800, s31;
	s24 =	simm.s32 $0x5090;
	_ =	swait.ge [sflag:s23], $0x4800  }
0x55: {  	s0 =	sadd.s32 s7, s30;
	s6 =	simm.s32 $0x5000;
	[sflag:s23] =	ssyncset.done $0x0  }
0x56: {  	s11 =	simm.s32 $0x10;
	s15 =	sadd.s32 $0x0, s0;
	[sflag:s23] =	ssyncadd.s32 $0xFFFFB800  }
.LBB2_10:
0x57: {  	[hbm4b:s15+s1] =	stream.linear.scatter [tilespmem:s6], [sflag:$0x5], $0x80, $0x38;
	[tilespmem:$0x13000] =	vst v63  }
0x58: {  	s15 =	smov.u32 s11;
	s6 =	smov.u32 s24;
	p0 =	sne.s32 s11, $0x7F0  }
.Ltmp3:
0x59: {  	s11 =	sadd.s32 $0x10, s11;
	(pc) =	sbr.rel @p0 .LBB2_10-.Ltmp3, $2  }
0x5a: {  	_ =	sdelay $0x2  }
0x5b: {  	s24 =	sadd.s32 $0x90, s24;
	s15 =	sadd.s32 s15, s0  }
0x5c: {  	[hbm4b:s15+s1] =	stream.linear.scatter [tilespmem:s6], [sflag:$0x5], $0x80, $0x38;
	[tilespmem:$0x13000] =	vst v63  }
0x5d: {  	s0 =	sadd.s32 s8, s30;
	_ =	swait.ge [sflag:s12], $0x4000  }
0x5e: {  	s6 =	simm.s32 $0xE000;
	s11 =	simm.s32 $0x10;
	[sflag:s12] =	ssyncset.done $0x0  }
0x5f: {  	s24 =	simm.s32 $0xE090;
	s15 =	sadd.s32 $0x0, s0;
	[sflag:s12] =	ssyncadd.s32 $0xFFFFC000  }
.LBB2_12:
0x60: {  	[hbm4b:s15+s1] =	stream.linear.scatter [tilespmem:s6], [sflag:$0x5], $0x80, $0x38;
	[tilespmem:$0x13000] =	vst v63  }
0x61: {  	s15 =	smov.u32 s11;
	s6 =	smov.u32 s24;
	p0 =	sne.s32 s11, $0x7F0  }
.Ltmp4:
0x62: {  	s11 =	sadd.s32 $0x10, s11;
	(pc) =	sbr.rel @p0 .LBB2_12-.Ltmp4, $2  }
0x63: {  	_ =	sdelay $0x2  }
0x64: {  	s24 =	sadd.s32 $0x90, s24;
	s15 =	sadd.s32 s15, s0  }
0x65: {  	[hbm4b:s15+s1] =	stream.linear.scatter [tilespmem:s6], [sflag:$0x5], $0x80, $0x38;
	[tilespmem:$0x13000] =	vst v63  }
0x66: {  	_ =	swait.ge [sflag:s12], $0x4000  }
0x67: {  	[sflag:s12] =	ssyncset.done $0x0  }
0x68: {  	s0 =	simm.s32 $0x80;
	[sflag:s12] =	ssyncadd.s32 $0xFFFFC000  }
0x69: {  	v0 =	vld [tilespmem:s0+$0xE000]  }
0x6a: {  	v1 =	vld [tilespmem:s0+$0x5000];
	_ =	sdelay $0x4  }
0x6b: {  	v0 =	vadd.f32 v0, v1  }
0x6c: {  	s30 =	simm.s32 $0x12800  }
0x6d: {  	s6 =	simm.s32 $0x110;
	[tilespmem:s30+$0x0] =	vst v0  }
0x6e: {  	s0 =	simm.s32 $0x680;
	v0 =	vld [tilespmem:s6+$0xE000]  }
.LBB2_14:
0x6f: {  	p0 =	sne.s32 s0, $0x11FC0;
	v1 =	vld [tilespmem:s6+$0x5000];
	_ =	sdelay $0x3  }
.Ltmp5:
0x70: {  	(pc) =	sbr.rel @p0 .LBB2_14-.Ltmp5, $4  }
0x71: {  	v0 =	vadd.f32 v0, v1  }
0x72: {  	s30 =	sadd.s32 $0x10, s30  }
0x73: {  	s6 =	sshra.s32 s0, $0x2;
	[tilespmem:s30+$0x0] =	vst v0  }
0x74: {  	s0 =	sadd.s32 $0x240, s0;
	v0 =	vld [tilespmem:s6+$0xE000]  }
0x75: {  	v1 =	vld [tilespmem:s6+$0x5000];
	_ =	sdelay $0x4  }
0x76: {  	s0 =	sshll.u32 s29, $0x8;
	s28 =	sadd.s32 $0x1, s28;
	v0 =	vadd.f32 v0, v1  }
0x77: {  	s31 =	sadd.s32 $0x10, s30;
	s0 =	sand.u32 $0x1FFFFF00, s0;
	p0 =	sne.s32 s28, $0x4  }
.Ltmp6:
0x78: {  	s0 =	sadd.s32 s9, s0;
	[tilespmem:s31+$0x0] =	vst v0;
	(pc) =	sbr.rel @p0 .LBB2_3-.Ltmp6, $4  }
0x79: {  	[hbm4b:s0+s1] =	stream.linear.scatter [tilespmem:s21], [sflag:$0x5], $0x800, $0x38;
	[tilespmem:$0x13000] =	vst v63  }
0x7a: {  	_ =	swait.ge [sflag:s12], $0x800  }
0x7b: {  	[sflag:s12] =	ssyncset.done $0x0  }
0x7c: {  	[sflag:s12] =	ssyncadd.s32 $0xFFFFF800  }
0x7d: {  	s25 =	sadd.s32 $0x1, s25  }
0x7e: {  	p0 =	sne.s32 s25, $0x5  }
.Ltmp7:
0x7f: {  	_ = 	snop;
	(pc) =	sbr.rel @p0 .LBB2_2-.Ltmp7, $1  }
0x80: {  	_ =	sdelay $0x3  }
0x81: {  	s6 =	rddreg [dreg:$0x3]  }
0x82: {  	s0 =	rddreg [dreg:$0x2];
	s6 =	sadd.s32 $0x1, s6  }
0x83: {  	p0 =	sne.s32 s6, s0  }
.Ltmp8:
0x84: {  	_ = 	snop;
	(pc) =	sbr.rel @p0 .LBB2_1-.Ltmp8, $1  }
0x85: {  	_ =	sdelay $0x3  }
0x86: {  	_ =	sfence.sel $0x180000  }
0x87: {  	[bflag:$0x0] =	sbarrier.arrive $0xFFFF  }
0x88: {  	_ =	strace $0x9000004A  }
0x89: {  	s0 =	stileid.u32;
	[bflag:$0x2] =	sbarrier.arrive $0xFFFF  }
0x8a: {  	p0 =	sne.s32 s0, $0x0;
	s0 =	rddreg [dreg:$0x1]  }
0x8b: {  	s0 =	sadd.s32 @!p0 $0x100000, s0  }
0x8c: {  	[sflag:s0] =	ssyncadd.tile.s32 @!p0 $0x1;
	_ =	shalt  }
.Lfunc_end2:
_tile_overlayer_lowered:
.L_overlay_start_2:
0x8d: {  	(tag) =	ssettag $0x2  }
0x8e: {  	s0 =	rddreg [dreg:$0x0];
	s2 =	stileid.u32  }
0x8f: {  	s1 =	rddreg [dreg:$0x1];
	p0 =	sne.s32 s2, $0x0  }
0x90: {  	s3 =	rddreg [dreg:$0x2];
	[bflag:$0x3] =	sbarrier.arrive $0xFFFF;
	s2 =	simm.s32 @!p0 $0x1C05  }
0x91: {  	[timem:s3], [sflag:s2] =	dma.local @!p0 [hbm:s0], s1  }
0x92: {  	s0 =	simm.s32 @!p0 $0x5  }
0x93: {  	_ =	swait.ge @!p0 [sflag:s0], s1  }
0x94: {  	s1 =	ssub.s32 @!p0 $0x0, s1;
	[sflag:s0] =	ssyncset.done @!p0 $0x0  }
0x95: {  	[sflag:s0] =	ssyncadd.s32 @!p0 s1  }
0x96: {  	[bflag:$0x3] =	sbarrier.arrive $0xFFFF  }
0x97: {  	_ =	shalt  }

// kernel: kernel.14.cloned.1.call-start
scs
__scs_entry_jumppad:
0x0: {  	(pc) =	sbr.rel $0x88, $3  }
0x1: {  	(tag) =	ssettag $0x0;
	lr =	simm.s32 $0x1  }
0x2: {  	[smem:$0x3F97] =	sst lr;
	_ =	strace $0xD0000000  }
0x3: {  	_ = 	snop  }
0x4: {  	_ = 	snop  }
0x5: {  	_ = 	snop  }
0x6: {  	_ = 	snop  }
0x7: {  	_ = 	snop  }
__scs_overlays_trampoline_lowered:
0x8: {  	[smem:$0x3FA6] =	sst s0  }
0x9: {  	[smem:$0x3FA7] =	sst s1  }
0xa: {  	[smem:$0x3FA8] =	sst s2  }
0xb: {  	[smem:$0x3FA9] =	sst s3  }
0xc: {  	[smem:$0x3FAA] =	sst s4  }
0xd: {  	[smem:$0x3FAB] =	sst s5  }
0xe: {  	[smem:$0x3FAC] =	sst s6  }
0xf: {  	[smem:$0x3FAD] =	sst s7  }
0x10: {  	[smem:$0x3FAE] =	sst s8  }
0x11: {  	[smem:$0x3FAF] =	sst s9;
	s0 =	simm.s32 @!p0 $0x0  }
0x12: {  	s1 =	sld [smem:$0x3F95];
	s0 =	simm.s32 @p0 $0x1  }
0x13: {  	[smem:$0x3FB0] =	sst s0;
	s0 =	simm.s32 @!p1 $0x0  }
0x14: {  	s2 =	sld [smem:$0x3F94];
	s0 =	simm.s32 @p1 $0x1  }
0x15: {  	[smem:$0x3FB1] =	sst s0;
	s0 =	simm.s32 @!p2 $0x0  }
0x16: {  	s3 =	sld [smem:$0x3FDB];
	s0 =	simm.s32 @p2 $0x1  }
0x17: {  	s4 =	simm.s32 $0x1BF5;
	[smem:$0x3FB3] =	sst s0  }
0x18: {  	s0 =	sld [smem:$0x3F96];
	_ =	swait.ge [sflag:s4], $0x0  }
0x19: {  	s7 =	sld [smem:$0x3F97]  }
0x1a: {  	s8 =	sadd.s32 $0xFFFFE003, lr  }
0x1b: {  	s9 =	sadd.s32 $0xFFFFFEF7, lr;
	s5 =	simm.s32 $0xFFFFFFFF;
	p2 =	slt.u32 s8, $0xFFFFF086  }
0x1c: {  	p1 =	slt.u32 s9, $0xF7A;
	s5 =	simm.s32 @!p2 $0x0  }
0x1d: {  	s5 =	simm.s32 @p1 $0x1;
	p0 =	seq.s32 s7, s2  }
0x1e: {  	s7 =	smul.u32 @!p0 $0xF7A, s2;
	p2 =	seq.s32 @!p0 s5, $0x0  }
0x1f: {  	s9 =	smul.u32 $0xF7A, s1;
	s8 =	simm.s32 @!p0 $0x1BF5;
	p2 =	por !p2, p0  }
0x20: {  	[sflag:s8] =	ssyncset.s32 @!p0 $0xFFFFF086;
	s6 =	sadd.s32 @!p0 s3, s7;
	s7 =	simm.s32 @!p0 $0x108  }
0x21: {  	s3 =	sadd.s32 s3, s9;
	s6 =	sadd.s32 @!p0 $0x88, s6;
	s7 =	simm.s32 @p2 $0x1082  }
0x22: {  	[simem:s7], [sflag:s8] =	dma.local @!p0 [hbm:s6], $0xF7A  }
0x23: {  	s9 =	sor.u32 $0xD0000000, s2;
	s6 =	simm.s32 $0x108;
	_ =	swait.ge @!p0 [sflag:s8], $0x0  }
0x24: {  	s3 =	sadd.s32 $0x88, s3;
	s6 =	simm.s32 @!p1 $0x1082;
	[sflag:s4] =	ssyncset.s32 $0xFFFFF086  }
0x25: {  	[simem:s6], [sflag:s4] =	dma.local [hbm:s3], $0xF7A  }
0x26: {  	[smem:$0x3F97] =	sst s1;
	(tag) =	ssettag s2;
	_ =	strace s9  }
0x27: {  	s1 =	sld [smem:$0x3FA7]  }
0x28: {  	s2 =	sld [smem:$0x3FA8]  }
0x29: {  	s4 =	sld [smem:$0x3FAA]  }
0x2a: {  	p0 =	seq.s32 s5, $0x0;
	s5 =	sld [smem:$0x3FAB]  }
0x2b: {  	s6 =	sld [smem:$0x3FAC]  }
0x2c: {  	s7 =	sld [smem:$0x3FAD]  }
0x2d: {  	s3 =	simm.s32 $0x108;
	s8 =	sld [smem:$0x3FAE]  }
0x2e: {  	s3 =	simm.s32 @!p0 $0x1082;
	s9 =	sld [smem:$0x3FAF]  }
0x2f: {  	lr =	sadd.s32 s0, s3;
	s0 =	sld [smem:$0x3FA6]  }
0x30: {  	s3 =	sld [smem:$0x3FA9]  }
0x31: {  	[smem:$0x3FB2] =	sst s10  }
0x32: {  	s10 =	sld [smem:$0x3FB0];
	_ =	sdelay $0x3  }
0x33: {  	p0 =	seq.s32 s10, $0x1;
	s10 =	sld [smem:$0x3FB2];
	_ =	sdelay $0x3  }
0x34: {  	[smem:$0x3FB2] =	sst s10  }
0x35: {  	s10 =	sld [smem:$0x3FB1];
	_ =	sdelay $0x3  }
0x36: {  	p1 =	seq.s32 s10, $0x1;
	s10 =	sld [smem:$0x3FB2];
	_ =	sdelay $0x3  }
0x37: {  	[smem:$0x3FB2] =	sst s10  }
0x38: {  	s10 =	sld [smem:$0x3FB3]  }
0x39: {  	_ = 	snop;
	(pc) =	sbr.ind lr, $3  }
0x3a: {  	_ = 	snop  }
0x3b: {  	_ = 	snop  }
0x3c: {  	p2 =	seq.s32 s10, $0x1;
	s10 =	sld [smem:$0x3FB2]  }
0x3d: {  	_ =	shalt  }
0x3e: {  	_ =	shalt  }
0x3f: {  	_ =	shalt  }
0x40: {  	_ =	shalt  }
0x41: {  	_ =	shalt  }
0x42: {  	_ =	shalt  }
0x43: {  	_ =	shalt  }
0x44: {  	_ =	shalt  }
0x45: {  	_ =	shalt  }
0x46: {  	_ =	shalt  }
0x47: {  	_ =	shalt  }
0x48: {  	_ =	shalt  }
0x49: {  	_ =	shalt  }
0x4a: {  	_ =	shalt  }
0x4b: {  	_ =	shalt  }
0x4c: {  	_ =	shalt  }
0x4d: {  	_ =	shalt  }
0x4e: {  	_ =	shalt  }
0x4f: {  	_ =	shalt  }
0x50: {  	_ =	shalt  }
0x51: {  	_ =	shalt  }
0x52: {  	_ =	shalt  }
0x53: {  	_ =	shalt  }
0x54: {  	_ =	shalt  }
0x55: {  	_ =	shalt  }
0x56: {  	_ =	shalt  }
0x57: {  	_ =	shalt  }
0x58: {  	_ =	shalt  }
0x59: {  	_ =	shalt  }
0x5a: {  	_ =	shalt  }
0x5b: {  	_ =	shalt  }
0x5c: {  	_ =	shalt  }
0x5d: {  	_ =	shalt  }
0x5e: {  	_ =	shalt  }
0x5f: {  	_ =	shalt  }
0x60: {  	_ =	shalt  }
0x61: {  	_ =	shalt  }
0x62: {  	_ =	shalt  }
0x63: {  	_ =	shalt  }
0x64: {  	_ =	shalt  }
0x65: {  	_ =	shalt  }
0x66: {  	_ =	shalt  }
0x67: {  	_ =	shalt  }
0x68: {  	_ =	shalt  }
0x69: {  	_ =	shalt  }
0x6a: {  	_ =	shalt  }
0x6b: {  	_ =	shalt  }
0x6c: {  	_ =	shalt  }
0x6d: {  	_ =	shalt  }
0x6e: {  	_ =	shalt  }
0x6f: {  	_ =	shalt  }
0x70: {  	_ =	shalt  }
0x71: {  	_ =	shalt  }
0x72: {  	_ =	shalt  }
0x73: {  	_ =	shalt  }
0x74: {  	_ =	shalt  }
0x75: {  	_ =	shalt  }
0x76: {  	_ =	shalt  }
0x77: {  	_ =	shalt  }
0x78: {  	_ =	shalt  }
0x79: {  	_ =	shalt  }
0x7a: {  	_ =	shalt  }
0x7b: {  	_ =	shalt  }
0x7c: {  	_ =	shalt  }
0x7d: {  	_ =	shalt  }
0x7e: {  	_ =	shalt  }
0x7f: {  	_ =	shalt  }
0x80: {  	_ =	shalt  }
0x81: {  	_ =	shalt  }
0x82: {  	_ =	shalt  }
0x83: {  	_ =	shalt  }
0x84: {  	_ =	shalt  }
0x85: {  	_ =	shalt  }
0x86: {  	_ =	shalt  }
0x87: {  	_ =	shalt  }
.Lfunc_end0:
.L_simem_size_0:
called_computation.2_lowered:
.L_overlay_start_0:
0x88: {  	s2 =	sld [smem:$0x3FD9]  }
0x89: {  	s3 =	sld [smem:$0x3FFE];
	_ =	sdelay $0x1  }
0x8a: {  	s1 =	srdreg.scid  }
0x8b: {  	s0 =	sand.u32 $0x1, s1  }
0x8c: {  	s17 =	sshll.u32 s0, $0xA;
	s2 =	sadd.s32 s3, s2  }
0x8d: {  	s2 =	sadd.s32 s2, s17  }
0x8e: {  	[smem:$0x3FBE] =	sst s2  }
0x8f: {  	_ = 	snop  }
0x90: {  	s18 =	sld [smem:$0x3FD0];
	(tm) =	ssettm $0x1  }
0x91: {  	s19 =	sld [smem:$0x3FFB];
	_ =	sdelay $0x3  }
0x92: {  	_ =	strace s19  }
0x93: {  	s2 =	sld [smem:$0x3FFC];
	_ =	sdelay $0x3  }
0x94: {  	_ =	strace s2  }
0x95: {  	s2 =	sld [smem:$0x3FFD];
	_ =	sdelay $0x3  }
0x96: {  	_ =	strace s2  }
0x97: {  	_ =	strace $0x8FFFFFFF  }
0x98: {  	s20 =	sld [smem:$0x3FDB];
	_ =	sdelay $0x1  }
0x99: {  	s4 =	simm.s32 $_scs_section_size  }
0x9a: {  	s5 =	simm.s32 $_size__tile_overlayer_lowered;
	s6 =	simm.s32 $_tile_overlayer_lowered  }
0x9b: {  	s7 =	simm.s32 $0x1BFF;
	s21 =	sshll.u32 s6, $0x1;
	s4 =	sadd.s32 s4, s20  }
0x9c: {  	s22 =	simm.s32 $0x0;
	s5 =	sshll.u32 s5, $0x1;
	s6 =	sadd.s32 s21, s4  }
0x9d: {  	[timem:s22], [sflag:s7] =	dma.local [hbm:s6], s5  }
0x9e: {  	_ =	swait.ge [sflag:s7], s5  }
0x9f: {  	s5 =	ssub.s32 $0x0, s5;
	[sflag:s7] =	ssyncset.done $0x0  }
0xa0: {  	[sflag:s7] =	ssyncadd.s32 s5;
	_ =	sdelay $0x1  }
0xa1: {  	s23 =	simm.s32 $0x1B8B  }
0xa2: {  	_ =	swait.ge [sflag:s23], $0x1  }
0xa3: {  	[sflag:s23] =	ssyncset.done $0x0  }
0xa4: {  	[sflag:s23] =	ssyncadd.s32 $0xFFFFFFFF  }
0xa5: {  	s5 =	sld [smem:$0x0]  }
0xa6: {  	s6 =	sand.u32 $0xFFFFFFFE, s1  }
0xa7: {  	p0 =	sne.s32 s1, s6  }
0xa8: {  	s6 =	sshll.u32 @p0 s6, $0xE  }
0xa9: {  	s6 =	sadd.s32 @p0 $0x11B8D, s6;
	s7 =	sshll.u32 @p0 s5, $0x11  }
0xaa: {  	s6 =	sor.u32 @p0 s7, s6  }
0xab: {  	[sflag:s6] =	ssyncadd.remote.s32 @p0 $0x1;
	_ =	sdelay $0x1  }
0xac: {  	s6 =	simm.s32 @p0 $0x1B8D  }
0xad: {  	_ =	swait.eq @p0 [sflag:s6], $0x1  }
0xae: {  	[sflag:s6] =	ssyncadd.s32 @p0 $0xFFFFFFFF  }
0xaf: {  	s7 =	sshll.u32 @!p0 s1, $0xE  }
0xb0: {  	s7 =	sor.u32 @!p0 $0x4000, s7;
	s6 =	simm.s32 @!p0 $0x1B8D  }
0xb1: {  	s5 =	sshll.u32 @!p0 s5, $0x11;
	s7 =	sadd.s32 @!p0 $0x11B8D, s7;
	_ =	swait.eq @!p0 [sflag:s6], $0x1  }
0xb2: {  	s5 =	sor.u32 @!p0 s5, s7;
	[sflag:s6] =	ssyncadd.s32 @!p0 $0xFFFFFFFF  }
0xb3: {  	s25 =	simm.s32 $0x1B8E;
	s24 =	sld [smem:$0x3FFE];
	[sflag:s5] =	ssyncadd.remote.s32 @!p0 $0x1  }
0xb4: {  	s26 =	simm.s32 $execute0_lowered;
	[smem:$0x3FD2] =	sst s25  }
0xb5: {  	s6 =	sshll.u32 s26, $0x1;
	_ =	strace $0x8000004C;
	[dreg:$0x1] =	wrdreg $0xFFFFFFFF  }
0xb6: {  	s28 =	simm.s32 $_size_execute0_lowered;
	s4 =	sadd.s32 s4, s6;
	[dreg:$0x0] =	wrdreg $0x0  }
0xb7: {  	s6 =	sshll.u32 s28, $0x1;
	[dreg:$0x2] =	wrdreg s4  }
0xb8: {  	[dreg:$0x3] =	wrdreg s6  }
0xb9: {  	[dreg:$0x4] =	wrdreg $0xC0  }
0xba: {  	_ =	task [dreg:s22], $0x5FFFF  }
0xbb: {  	[dreg:$0x1] =	wrdreg $0xFFFFFFFF  }
0xbc: {  	[dreg:$0x0] =	wrdreg $0x60  }
0xbd: {  	[dreg:$0x2] =	wrdreg s24  }
0xbe: {  	[dreg:$0x3] =	wrdreg s18  }
0xbf: {  	[dreg:$0x4] =	wrdreg $0xA  }
0xc0: {  	_ =	task.clear_ibuf [dreg:s22], $0x5FFFF;
	_ =	strace $0x9000004C  }
0xc1: {  	s29 =	simm.s32 $0xA;
	_ =	strace $0x8000004E  }
0xc2: {  	_ =	swait.ge [sflag:s29], $0x1  }
0xc3: {  	[sflag:s29] =	ssyncadd.s32 $0xFFFFFFFF  }
0xc4: {  	_ =	strace $0x9000004E  }
0xc5: {  	_ =	sfence  }
0xc6: {  	s30 =	sld [smem:$0x0];
	_ =	sdelay $0x2  }
0xc7: {  	s31 =	sshll.u32 s1, $0xD;
	s1 =	sshrl.u32 s1, $0x2  }
0xc8: {  	s4 =	sand.u32 $0x4000, s31;
	s1 =	sadd.s32 s1, s30  }
0xc9: {  	s0 =	sor.u32 s4, s0;
	s1 =	sshll.u32 s1, $0x11  }
0xca: {  	s0 =	sor.u32 s1, s0  }
0xcb: {  	s0 =	sadd.s32 $0x8F2B, s0  }
0xcc: {  	[sflag:s0] =	ssyncadd.remote.s32 $0x1  }
0xcd: {  	_ =	sfence.sel $0xFFFF  }
0xce: {  	[dreg:$0x0] =	wrdreg $0xFFFFFFFF;
	(pc) =	sbr.abs _section_cstart, $3  }
0xcf: {  	[dreg:$0x1] =	wrdreg $0xFFFFFFFF  }
0xd0: {  	_ =	task.clear_ibuf [dreg:s22], $0x2FFFF;
	_ =	strace $0x9FFFFFFF  }
0xd1: {  	(tm) =	ssettm $0x7FFFFFFF  }
tec
execute0_lowered:
.L_overlay_start_1:
0x0: {  	(tag) =	ssettag $0x1  }
0x1: {  	s0 =	rddreg [dreg:$0x0]  }
0x2: {  	s1 =	rddreg [dreg:$0x1];
	s2 =	simm.s32 $0x0;
	s6 =	srdreg.scid  }
0x3: {  	s12 =	stileid.u32;
	s13 =	simm.s32 $0x400;
	s14 =	simm.s32 $0x80  }
0x4: {  	s16 =	simm.s32 $0x9800;
	s17 =	simm.s32 $0x5000;
	s18 =	simm.s32 $0xE000  }
0x5: {  	s19 =	simm.s32 $0x1;
	s20 =	simm.s32 $0x3;
	s21 =	simm.s32 $0x12800  }
0x6: {  	s22 =	simm.s32 $0x2;
	s23 =	simm.s32 $0x4;
	[smem:$0x7FF] =	sst s2  }
0x7: {  	s3 =	sadd.s32 $0x71600, s0;
	s4 =	sadd.s32 $0xD0600, s0;
	s6 =	sand.u32 $0x1, s6  }
0x8: {  	s5 =	sadd.s32 $0x5D600, s0;
	s7 =	sadd.s32 $0x67600, s0;
	s10 =	ssub.s32 $0x2, s6  }
0x9: {  	s8 =	sadd.s32 $0x5FD600, s0;
	s9 =	sadd.s32 $0x87D600, s0;
	s11 =	sshrl.u32 s10, $0x1  }
0xa: {  	_ =	strace $0x8000004D;
	s6 =	sshll.u32 s6, $0x4;
	s31 =	ssub.s32 s10, s11  }
0xb: {  	s6 =	sor.u32 s12, s6;
	s12 =	simm.s32 $0x5;
	s0 =	smax.u32 s31, $0x1  }
0xc: {  	s10 =	smul.u32 $0x28, s6;
	s6 =	simm.s32 $0x0;
	[dreg:$0x3] =	wrdreg s0  }
.LBB2_1:
0xd: {  	[dreg:$0x4] =	wrdreg s6;
	s25 =	simm.s32 $0x0  }
.LBB2_2:
0xe: {  	s0 =	sshll.u32 s25, $0x3  }
0xf: {  	s26 =	sadd.s32 s10, s0  }
0x10: {  	s0 =	sshll.u32 s26, $0x4  }
0x11: {  	s0 =	sadd.s32 $0x5000, s0  }
0x12: {  	s28 =	simm.s32 $0x0;
	s6 =	sadd.s32 s5, s0  }
0x13: {  	[tilespmem:s28], [sflag:$0x5] =	stream.linear.gather [hbm4b:s6+s28], $0x400, $0x38;
	[tilespmem:$0x13000] =	vst v63  }
0x14: {  	_ =	swait.ge [sflag:s12], $0x400  }
0x15: {  	[sflag:s12] =	ssyncset.done $0x0  }
0x16: {  	s0 =	sadd.s32 s7, s0;
	[sflag:s12] =	ssyncadd.s32 $0xFFFFFC00  }
0x17: {  	[tilespmem:s13], [sflag:$0x5] =	stream.linear.gather [hbm4b:s0+s28], $0x400, $0x38;
	[tilespmem:$0x13000] =	vst v63  }
0x18: {  	_ =	swait.ge [sflag:s12], $0x400  }
0x19: {  	[sflag:s12] =	ssyncset.done $0x0  }
0x1a: {  	s31 =	simm.s32 $0x800;
	[sflag:s12] =	ssyncadd.s32 $0xFFFFFC00  }
0x1b: {  	[tilespmem:s31], [sflag:$0x1] =	stream.indirect.gather [hbm4b:s3+s14], $0x90, s28, s14, $0xb8;
	[tilespmem:$0x13000] =	vst v63  }
0x1c: {  	_ = 	snop  }
0x1d: {  	[tilespmem:s16], [sflag:$0x3] =	stream.indirect.gather [hbm4b:s4+s14], $0x90, s13, s14, $0xb8;
	[tilespmem:$0x13000] =	vst v63  }
.LBB2_3:
0x1e: {  	s29 =	sshllo.u32 s28, $0x1  }
0x1f: {  	s0 =	sshll.u32 s29, $0x7  }
0x20: {  	[tilespmem:s17], [sflag:$0x2] =	stream.indirect.gather [hbm4b:s3+s14], $0x90, s0, s14, $0xb8;
	[tilespmem:$0x13000] =	vst v63  }
0x21: {  	s0 =	sadd.s32 $0x400, s0  }
0x22: {  	[tilespmem:s18], [sflag:$0x4] =	stream.indirect.gather [hbm4b:s4+s14], $0x90, s0, s14, $0xb8;
	[tilespmem:$0x13000] =	vst v63  }
0x23: {  	_ =	swait.ge [sflag:s19], $0x4800  }
0x24: {  	s24 =	sshll.u32 s28, $0x1;
	[sflag:s19] =	ssyncset.done $0x0  }
0x25: {  	s30 =	sor.u32 s26, s24;
	[sflag:s19] =	ssyncadd.s32 $0xFFFFB800  }
0x26: {  	s6 =	simm.s32 $0x800;
	s31 =	sshll.u32 s30, $0xB;
	_ =	swait.ge [sflag:s20], $0x4800  }
0x27: {  	s11 =	simm.s32 $0x10;
	s0 =	sadd.s32 s8, s31;
	[sflag:s20] =	ssyncset.done $0x0  }
0x28: {  	s24 =	simm.s32 $0x890;
	s15 =	sadd.s32 $0x0, s0;
	[sflag:s20] =	ssyncadd.s32 $0xFFFFB800  }
.LBB2_4:
0x29: {  	[hbm4b:s15+s2] =	stream.linear.scatter [tilespmem:s6], [sflag:$0x5], $0x80, $0x38;
	[tilespmem:$0x13000] =	vst v63  }
0x2a: {  	s15 =	smov.u32 s11;
	s6 =	smov.u32 s24;
	p0 =	sne.s32 s11, $0x7F0  }
.Ltmp0:
0x2b: {  	s11 =	sadd.s32 $0x10, s11;
	(pc) =	sbr.rel @p0 .LBB2_4-.Ltmp0, $2  }
0x2c: {  	_ =	sdelay $0x2  }
0x2d: {  	s24 =	sadd.s32 $0x90, s24;
	s15 =	sadd.s32 s15, s0  }
0x2e: {  	[hbm4b:s15+s2] =	stream.linear.scatter [tilespmem:s6], [sflag:$0x5], $0x80, $0x38;
	[tilespmem:$0x13000] =	vst v63  }
0x2f: {  	s0 =	sadd.s32 s9, s31;
	_ =	swait.ge [sflag:s12], $0x4000  }
0x30: {  	s6 =	simm.s32 $0x9800;
	s11 =	simm.s32 $0x10;
	[sflag:s12] =	ssyncset.done $0x0  }
0x31: {  	s24 =	simm.s32 $0x9890;
	s15 =	sadd.s32 $0x0, s0;
	[sflag:s12] =	ssyncadd.s32 $0xFFFFC000  }
.LBB2_6:
0x32: {  	[hbm4b:s15+s2] =	stream.linear.scatter [tilespmem:s6], [sflag:$0x5], $0x80, $0x38;
	[tilespmem:$0x13000] =	vst v63  }
0x33: {  	s15 =	smov.u32 s11;
	s6 =	smov.u32 s24;
	p0 =	sne.s32 s11, $0x7F0  }
.Ltmp1:
0x34: {  	s11 =	sadd.s32 $0x10, s11;
	(pc) =	sbr.rel @p0 .LBB2_6-.Ltmp1, $2  }
0x35: {  	_ =	sdelay $0x2  }
0x36: {  	s24 =	sadd.s32 $0x90, s24;
	s15 =	sadd.s32 s15, s0  }
0x37: {  	[hbm4b:s15+s2] =	stream.linear.scatter [tilespmem:s6], [sflag:$0x5], $0x80, $0x38;
	[tilespmem:$0x13000] =	vst v63  }
0x38: {  	_ =	swait.ge [sflag:s12], $0x4000  }
0x39: {  	[sflag:s12] =	ssyncset.done $0x0  }
0x3a: {  	s0 =	simm.s32 $0x80;
	[sflag:s12] =	ssyncadd.s32 $0xFFFFC000  }
0x3b: {  	v0 =	vld [tilespmem:s0+$0x9800]  }
0x3c: {  	v1 =	vld [tilespmem:s0+$0x800];
	_ =	sdelay $0x4  }
0x3d: {  	v0 =	vadd.f32 v0, v1  }
0x3e: {  	s31 =	simm.s32 $0x12800  }
0x3f: {  	s6 =	simm.s32 $0x110;
	[tilespmem:s31+$0x0] =	vst v0  }
0x40: {  	s0 =	simm.s32 $0x680;
	v0 =	vld [tilespmem:s6+$0x9800]  }
.LBB2_8:
0x41: {  	p0 =	sne.s32 s0, $0x11FC0;
	v1 =	vld [tilespmem:s6+$0x800];
	_ =	sdelay $0x3  }
.Ltmp2:
0x42: {  	(pc) =	sbr.rel @p0 .LBB2_8-.Ltmp2, $4  }
0x43: {  	v0 =	vadd.f32 v0, v1  }
0x44: {  	s31 =	sadd.s32 $0x10, s31  }
0x45: {  	s6 =	sshra.s32 s0, $0x2;
	[tilespmem:s31+$0x0] =	vst v0  }
0x46: {  	s0 =	sadd.s32 $0x240, s0;
	v0 =	vld [tilespmem:s6+$0x9800]  }
0x47: {  	v1 =	vld [tilespmem:s6+$0x800];
	_ =	sdelay $0x4  }
0x48: {  	v0 =	vadd.f32 v0, v1  }
0x49: {  	s0 =	sadd.s32 $0x10, s31;
	s15 =	sshll.u32 s30, $0x8  }
0x4a: {  	s24 =	sadd.s32 s1, s15;
	[tilespmem:s0+$0x0] =	vst v0  }
0x4b: {  	[hbm4b:s24+s2] =	stream.linear.scatter [tilespmem:s21], [sflag:$0x5], $0x800, $0x38;
	[tilespmem:$0x13000] =	vst v63  }
0x4c: {  	p0 =	seq.s32 s28, $0x3;
	_ =	swait.ge [sflag:s12], $0x800  }
0x4d: {  	s11 =	simm.s32 @!p0 $0x80;
	s0 =	sshll.u32 @!p0 s28, $0x8;
	[sflag:s12] =	ssyncset.done $0x0  }
0x4e: {  	s15 =	simm.s32 @!p0 $0x800;
	s6 =	sadd.s32 @!p0 $0x100, s0;
	[sflag:s12] =	ssyncadd.s32 $0xFFFFF800  }
0x4f: {  	[tilespmem:s15], [sflag:$0x1] =	stream.indirect.gather @!p0 [hbm4b:s3+s11], $0x90, s6, s11, $0xb8;
	[tilespmem:$0x13000] =	vst v63  }
0x50: {  	s0 =	sadd.s32 @!p0 $0x500, s0;
	s6 =	simm.s32 @!p0 $0x9800  }
0x51: {  	[tilespmem:s6], [sflag:$0x3] =	stream.indirect.gather @!p0 [hbm4b:s4+s11], $0x90, s0, s11, $0xb8;
	[tilespmem:$0x13000] =	vst v63  }
0x52: {  	_ =	swait.ge [sflag:s22], $0x4800  }
0x53: {  	s29 =	sor.u32 s26, s29;
	[sflag:s22] =	ssyncset.done $0x0  }
0x54: {  	s31 =	sshll.u32 s29, $0xB;
	[sflag:s22] =	ssyncadd.s32 $0xFFFFB800  }
0x55: {  	s30 =	sand.u32 $0x1FFFF800, s31;
	s24 =	simm.s32 $0x5090;
	_ =	swait.ge [sflag:s23], $0x4800  }
0x56: {  	s0 =	sadd.s32 s8, s30;
	s6 =	simm.s32 $0x5000;
	[sflag:s23] =	ssyncset.done $0x0  }
0x57: {  	s11 =	simm.s32 $0x10;
	s15 =	sadd.s32 $0x0, s0;
	[sflag:s23] =	ssyncadd.s32 $0xFFFFB800  }
.LBB2_10:
0x58: {  	[hbm4b:s15+s2] =	stream.linear.scatter [tilespmem:s6], [sflag:$0x5], $0x80, $0x38;
	[tilespmem:$0x13000] =	vst v63  }
0x59: {  	s15 =	smov.u32 s11;
	s6 =	smov.u32 s24;
	p0 =	sne.s32 s11, $0x7F0  }
.Ltmp3:
0x5a: {  	s11 =	sadd.s32 $0x10, s11;
	(pc) =	sbr.rel @p0 .LBB2_10-.Ltmp3, $2  }
0x5b: {  	_ =	sdelay $0x2  }
0x5c: {  	s24 =	sadd.s32 $0x90, s24;
	s15 =	sadd.s32 s15, s0  }
0x5d: {  	[hbm4b:s15+s2] =	stream.linear.scatter [tilespmem:s6], [sflag:$0x5], $0x80, $0x38;
	[tilespmem:$0x13000] =	vst v63  }
0x5e: {  	s0 =	sadd.s32 s9, s30;
	_ =	swait.ge [sflag:s12], $0x4000  }
0x5f: {  	s6 =	simm.s32 $0xE000;
	s11 =	simm.s32 $0x10;
	[sflag:s12] =	ssyncset.done $0x0  }
0x60: {  	s24 =	simm.s32 $0xE090;
	s15 =	sadd.s32 $0x0, s0;
	[sflag:s12] =	ssyncadd.s32 $0xFFFFC000  }
.LBB2_12:
0x61: {  	[hbm4b:s15+s2] =	stream.linear.scatter [tilespmem:s6], [sflag:$0x5], $0x80, $0x38;
	[tilespmem:$0x13000] =	vst v63  }
0x62: {  	s15 =	smov.u32 s11;
	s6 =	smov.u32 s24;
	p0 =	sne.s32 s11, $0x7F0  }
.Ltmp4:
0x63: {  	s11 =	sadd.s32 $0x10, s11;
	(pc) =	sbr.rel @p0 .LBB2_12-.Ltmp4, $2  }
0x64: {  	_ =	sdelay $0x2  }
0x65: {  	s24 =	sadd.s32 $0x90, s24;
	s15 =	sadd.s32 s15, s0  }
0x66: {  	[hbm4b:s15+s2] =	stream.linear.scatter [tilespmem:s6], [sflag:$0x5], $0x80, $0x38;
	[tilespmem:$0x13000] =	vst v63  }
0x67: {  	_ =	swait.ge [sflag:s12], $0x4000  }
0x68: {  	[sflag:s12] =	ssyncset.done $0x0  }
0x69: {  	s0 =	simm.s32 $0x80;
	[sflag:s12] =	ssyncadd.s32 $0xFFFFC000  }
0x6a: {  	v0 =	vld [tilespmem:s0+$0xE000]  }
0x6b: {  	v1 =	vld [tilespmem:s0+$0x5000];
	_ =	sdelay $0x4  }
0x6c: {  	v0 =	vadd.f32 v0, v1  }
0x6d: {  	s30 =	simm.s32 $0x12800  }
0x6e: {  	s6 =	simm.s32 $0x110;
	[tilespmem:s30+$0x0] =	vst v0  }
0x6f: {  	s0 =	simm.s32 $0x680;
	v0 =	vld [tilespmem:s6+$0xE000]  }
.LBB2_14:
0x70: {  	p0 =	sne.s32 s0, $0x11FC0;
	v1 =	vld [tilespmem:s6+$0x5000];
	_ =	sdelay $0x3  }
.Ltmp5:
0x71: {  	(pc) =	sbr.rel @p0 .LBB2_14-.Ltmp5, $4  }
0x72: {  	v0 =	vadd.f32 v0, v1  }
0x73: {  	s30 =	sadd.s32 $0x10, s30  }
0x74: {  	s6 =	sshra.s32 s0, $0x2;
	[tilespmem:s30+$0x0] =	vst v0  }
0x75: {  	s0 =	sadd.s32 $0x240, s0;
	v0 =	vld [tilespmem:s6+$0xE000]  }
0x76: {  	v1 =	vld [tilespmem:s6+$0x5000];
	_ =	sdelay $0x4  }
0x77: {  	s0 =	sshll.u32 s29, $0x8;
	s28 =	sadd.s32 $0x1, s28;
	v0 =	vadd.f32 v0, v1  }
0x78: {  	s31 =	sadd.s32 $0x10, s30;
	s0 =	sand.u32 $0x1FFFFF00, s0;
	p0 =	sne.s32 s28, $0x4  }
.Ltmp6:
0x79: {  	s0 =	sadd.s32 s1, s0;
	[tilespmem:s31+$0x0] =	vst v0;
	(pc) =	sbr.rel @p0 .LBB2_3-.Ltmp6, $4  }
0x7a: {  	[hbm4b:s0+s2] =	stream.linear.scatter [tilespmem:s21], [sflag:$0x5], $0x800, $0x38;
	[tilespmem:$0x13000] =	vst v63  }
0x7b: {  	_ =	swait.ge [sflag:s12], $0x800  }
0x7c: {  	[sflag:s12] =	ssyncset.done $0x0  }
0x7d: {  	[sflag:s12] =	ssyncadd.s32 $0xFFFFF800  }
0x7e: {  	s25 =	sadd.s32 $0x1, s25  }
0x7f: {  	p0 =	sne.s32 s25, $0x5  }
.Ltmp7:
0x80: {  	_ = 	snop;
	(pc) =	sbr.rel @p0 .LBB2_2-.Ltmp7, $1  }
0x81: {  	_ =	sdelay $0x3  }
0x82: {  	s6 =	rddreg [dreg:$0x4]  }
0x83: {  	s0 =	rddreg [dreg:$0x3];
	s6 =	sadd.s32 $0x1, s6  }
0x84: {  	p0 =	sne.s32 s6, s0  }
.Ltmp8:
0x85: {  	_ = 	snop;
	(pc) =	sbr.rel @p0 .LBB2_1-.Ltmp8, $1  }
0x86: {  	_ =	sdelay $0x3  }
0x87: {  	_ =	sfence.sel $0x180000  }
0x88: {  	[bflag:$0x0] =	sbarrier.arrive $0xFFFF  }
0x89: {  	_ =	strace $0x9000004D  }
0x8a: {  	s0 =	stileid.u32;
	[bflag:$0x2] =	sbarrier.arrive $0xFFFF  }
0x8b: {  	p0 =	sne.s32 s0, $0x0;
	s0 =	rddreg [dreg:$0x2]  }
0x8c: {  	s0 =	sadd.s32 @!p0 $0x100000, s0  }
0x8d: {  	[sflag:s0] =	ssyncadd.tile.s32 @!p0 $0x1;
	_ =	shalt  }
.Lfunc_end2:
_tile_overlayer_lowered:
.L_overlay_start_2:
0x8e: {  	(tag) =	ssettag $0x2  }
0x8f: {  	s0 =	rddreg [dreg:$0x0];
	s2 =	stileid.u32  }
0x90: {  	s1 =	rddreg [dreg:$0x1];
	p0 =	sne.s32 s2, $0x0  }
0x91: {  	s3 =	rddreg [dreg:$0x2];
	[bflag:$0x3] =	sbarrier.arrive $0xFFFF;
	s2 =	simm.s32 @!p0 $0x1C05  }
0x92: {  	[timem:s3], [sflag:s2] =	dma.local @!p0 [hbm:s0], s1  }
0x93: {  	s0 =	simm.s32 @!p0 $0x5  }
0x94: {  	_ =	swait.ge @!p0 [sflag:s0], s1  }
0x95: {  	s1 =	ssub.s32 @!p0 $0x0, s1;
	[sflag:s0] =	ssyncset.done @!p0 $0x0  }
0x96: {  	[sflag:s0] =	ssyncadd.s32 @!p0 s1  }
0x97: {  	[bflag:$0x3] =	sbarrier.arrive $0xFFFF  }
0x98: {  	_ =	shalt  }

// kernel: kernel.8.cloned.1.call-start
scs
__scs_entry_jumppad:
0x0: {  	(pc) =	sbr.rel $0x88, $3  }
0x1: {  	(tag) =	ssettag $0x0;
	lr =	simm.s32 $0x1  }
0x2: {  	[smem:$0x3F97] =	sst lr;
	_ =	strace $0xD0000000  }
0x3: {  	_ = 	snop  }
0x4: {  	_ = 	snop  }
0x5: {  	_ = 	snop  }
0x6: {  	_ = 	snop  }
0x7: {  	_ = 	snop  }
__scs_overlays_trampoline_lowered:
0x8: {  	[smem:$0x3FA6] =	sst s0  }
0x9: {  	[smem:$0x3FA7] =	sst s1  }
0xa: {  	[smem:$0x3FA8] =	sst s2  }
0xb: {  	[smem:$0x3FA9] =	sst s3  }
0xc: {  	[smem:$0x3FAA] =	sst s4  }
0xd: {  	[smem:$0x3FAB] =	sst s5  }
0xe: {  	[smem:$0x3FAC] =	sst s6  }
0xf: {  	[smem:$0x3FAD] =	sst s7  }
0x10: {  	[smem:$0x3FAE] =	sst s8  }
0x11: {  	[smem:$0x3FAF] =	sst s9;
	s0 =	simm.s32 @!p0 $0x0  }
0x12: {  	s1 =	sld [smem:$0x3F95];
	s0 =	simm.s32 @p0 $0x1  }
0x13: {  	[smem:$0x3FB0] =	sst s0;
	s0 =	simm.s32 @!p1 $0x0  }
0x14: {  	s2 =	sld [smem:$0x3F94];
	s0 =	simm.s32 @p1 $0x1  }
0x15: {  	[smem:$0x3FB1] =	sst s0;
	s0 =	simm.s32 @!p2 $0x0  }
0x16: {  	s3 =	sld [smem:$0x3FDB];
	s0 =	simm.s32 @p2 $0x1  }
0x17: {  	s4 =	simm.s32 $0x1BF5;
	[smem:$0x3FB3] =	sst s0  }
0x18: {  	s0 =	sld [smem:$0x3F96];
	_ =	swait.ge [sflag:s4], $0x0  }
0x19: {  	s7 =	sld [smem:$0x3F97]  }
0x1a: {  	s8 =	sadd.s32 $0xFFFFE003, lr  }
0x1b: {  	s9 =	sadd.s32 $0xFFFFFEF7, lr;
	s5 =	simm.s32 $0xFFFFFFFF;
	p2 =	slt.u32 s8, $0xFFFFF086  }
0x1c: {  	p1 =	slt.u32 s9, $0xF7A;
	s5 =	simm.s32 @!p2 $0x0  }
0x1d: {  	s5 =	simm.s32 @p1 $0x1;
	p0 =	seq.s32 s7, s2  }
0x1e: {  	s7 =	smul.u32 @!p0 $0xF7A, s2;
	p2 =	seq.s32 @!p0 s5, $0x0  }
0x1f: {  	s9 =	smul.u32 $0xF7A, s1;
	s8 =	simm.s32 @!p0 $0x1BF5;
	p2 =	por !p2, p0  }
0x20: {  	[sflag:s8] =	ssyncset.s32 @!p0 $0xFFFFF086;
	s6 =	sadd.s32 @!p0 s3, s7;
	s7 =	simm.s32 @!p0 $0x108  }
0x21: {  	s3 =	sadd.s32 s3, s9;
	s6 =	sadd.s32 @!p0 $0x88, s6;
	s7 =	simm.s32 @p2 $0x1082  }
0x22: {  	[simem:s7], [sflag:s8] =	dma.local @!p0 [hbm:s6], $0xF7A  }
0x23: {  	s9 =	sor.u32 $0xD0000000, s2;
	s6 =	simm.s32 $0x108;
	_ =	swait.ge @!p0 [sflag:s8], $0x0  }
0x24: {  	s3 =	sadd.s32 $0x88, s3;
	s6 =	simm.s32 @!p1 $0x1082;
	[sflag:s4] =	ssyncset.s32 $0xFFFFF086  }
0x25: {  	[simem:s6], [sflag:s4] =	dma.local [hbm:s3], $0xF7A  }
0x26: {  	[smem:$0x3F97] =	sst s1;
	(tag) =	ssettag s2;
	_ =	strace s9  }
0x27: {  	s1 =	sld [smem:$0x3FA7]  }
0x28: {  	s2 =	sld [smem:$0x3FA8]  }
0x29: {  	s4 =	sld [smem:$0x3FAA]  }
0x2a: {  	p0 =	seq.s32 s5, $0x0;
	s5 =	sld [smem:$0x3FAB]  }
0x2b: {  	s6 =	sld [smem:$0x3FAC]  }
0x2c: {  	s7 =	sld [smem:$0x3FAD]  }
0x2d: {  	s3 =	simm.s32 $0x108;
	s8 =	sld [smem:$0x3FAE]  }
0x2e: {  	s3 =	simm.s32 @!p0 $0x1082;
	s9 =	sld [smem:$0x3FAF]  }
0x2f: {  	lr =	sadd.s32 s0, s3;
	s0 =	sld [smem:$0x3FA6]  }
0x30: {  	s3 =	sld [smem:$0x3FA9]  }
0x31: {  	[smem:$0x3FB2] =	sst s10  }
0x32: {  	s10 =	sld [smem:$0x3FB0];
	_ =	sdelay $0x3  }
0x33: {  	p0 =	seq.s32 s10, $0x1;
	s10 =	sld [smem:$0x3FB2];
	_ =	sdelay $0x3  }
0x34: {  	[smem:$0x3FB2] =	sst s10  }
0x35: {  	s10 =	sld [smem:$0x3FB1];
	_ =	sdelay $0x3  }
0x36: {  	p1 =	seq.s32 s10, $0x1;
	s10 =	sld [smem:$0x3FB2];
	_ =	sdelay $0x3  }
0x37: {  	[smem:$0x3FB2] =	sst s10  }
0x38: {  	s10 =	sld [smem:$0x3FB3]  }
0x39: {  	_ = 	snop;
	(pc) =	sbr.ind lr, $3  }
0x3a: {  	_ = 	snop  }
0x3b: {  	_ = 	snop  }
0x3c: {  	p2 =	seq.s32 s10, $0x1;
	s10 =	sld [smem:$0x3FB2]  }
0x3d: {  	_ =	shalt  }
0x3e: {  	_ =	shalt  }
0x3f: {  	_ =	shalt  }
0x40: {  	_ =	shalt  }
0x41: {  	_ =	shalt  }
0x42: {  	_ =	shalt  }
0x43: {  	_ =	shalt  }
0x44: {  	_ =	shalt  }
0x45: {  	_ =	shalt  }
0x46: {  	_ =	shalt  }
0x47: {  	_ =	shalt  }
0x48: {  	_ =	shalt  }
0x49: {  	_ =	shalt  }
0x4a: {  	_ =	shalt  }
0x4b: {  	_ =	shalt  }
0x4c: {  	_ =	shalt  }
0x4d: {  	_ =	shalt  }
0x4e: {  	_ =	shalt  }
0x4f: {  	_ =	shalt  }
0x50: {  	_ =	shalt  }
0x51: {  	_ =	shalt  }
0x52: {  	_ =	shalt  }
0x53: {  	_ =	shalt  }
0x54: {  	_ =	shalt  }
0x55: {  	_ =	shalt  }
0x56: {  	_ =	shalt  }
0x57: {  	_ =	shalt  }
0x58: {  	_ =	shalt  }
0x59: {  	_ =	shalt  }
0x5a: {  	_ =	shalt  }
0x5b: {  	_ =	shalt  }
0x5c: {  	_ =	shalt  }
0x5d: {  	_ =	shalt  }
0x5e: {  	_ =	shalt  }
0x5f: {  	_ =	shalt  }
0x60: {  	_ =	shalt  }
0x61: {  	_ =	shalt  }
0x62: {  	_ =	shalt  }
0x63: {  	_ =	shalt  }
0x64: {  	_ =	shalt  }
0x65: {  	_ =	shalt  }
0x66: {  	_ =	shalt  }
0x67: {  	_ =	shalt  }
0x68: {  	_ =	shalt  }
0x69: {  	_ =	shalt  }
0x6a: {  	_ =	shalt  }
0x6b: {  	_ =	shalt  }
0x6c: {  	_ =	shalt  }
0x6d: {  	_ =	shalt  }
0x6e: {  	_ =	shalt  }
0x6f: {  	_ =	shalt  }
0x70: {  	_ =	shalt  }
0x71: {  	_ =	shalt  }
0x72: {  	_ =	shalt  }
0x73: {  	_ =	shalt  }
0x74: {  	_ =	shalt  }
0x75: {  	_ =	shalt  }
0x76: {  	_ =	shalt  }
0x77: {  	_ =	shalt  }
0x78: {  	_ =	shalt  }
0x79: {  	_ =	shalt  }
0x7a: {  	_ =	shalt  }
0x7b: {  	_ =	shalt  }
0x7c: {  	_ =	shalt  }
0x7d: {  	_ =	shalt  }
0x7e: {  	_ =	shalt  }
0x7f: {  	_ =	shalt  }
0x80: {  	_ =	shalt  }
0x81: {  	_ =	shalt  }
0x82: {  	_ =	shalt  }
0x83: {  	_ =	shalt  }
0x84: {  	_ =	shalt  }
0x85: {  	_ =	shalt  }
0x86: {  	_ =	shalt  }
0x87: {  	_ =	shalt  }
.Lfunc_end0:
.L_simem_size_0:
called_computation_lowered:
.L_overlay_start_0:
0x88: {  	s2 =	sld [smem:$0x3FD9]  }
0x89: {  	s3 =	sld [smem:$0x3FFE];
	_ =	sdelay $0x1  }
0x8a: {  	s1 =	srdreg.scid  }
0x8b: {  	s0 =	sand.u32 $0x1, s1  }
0x8c: {  	s17 =	sshll.u32 s0, $0xA;
	s2 =	sadd.s32 s3, s2  }
0x8d: {  	s2 =	sadd.s32 s2, s17  }
0x8e: {  	[smem:$0x3FBE] =	sst s2  }
0x8f: {  	_ = 	snop  }
0x90: {  	s2 =	sld [smem:$0x3FD0];
	(tm) =	ssettm $0x1  }
0x91: {  	s18 =	sld [smem:$0x3FFB];
	_ =	sdelay $0x3  }
0x92: {  	_ =	strace s18  }
0x93: {  	s3 =	sld [smem:$0x3FFC];
	_ =	sdelay $0x3  }
0x94: {  	_ =	strace s3  }
0x95: {  	s3 =	sld [smem:$0x3FFD];
	_ =	sdelay $0x3  }
0x96: {  	_ =	strace s3  }
0x97: {  	_ =	strace $0x8FFFFFFF  }
0x98: {  	s19 =	sld [smem:$0x3FDB];
	_ =	sdelay $0x1  }
0x99: {  	s4 =	simm.s32 $_scs_section_size  }
0x9a: {  	s5 =	simm.s32 $_size__tile_overlayer_lowered;
	s6 =	simm.s32 $_tile_overlayer_lowered  }
0x9b: {  	s22 =	simm.s32 $0x1BFF;
	s21 =	sshll.u32 s6, $0x1;
	s3 =	sadd.s32 s4, s19  }
0x9c: {  	s7 =	simm.s32 $0x0;
	s20 =	sshll.u32 s5, $0x1;
	s5 =	sadd.s32 s21, s3  }
0x9d: {  	[timem:s7], [sflag:s22] =	dma.local [hbm:s5], s20  }
0x9e: {  	_ =	swait.ge [sflag:s22], s20  }
0x9f: {  	s4 =	ssub.s32 $0x0, s20;
	[sflag:s22] =	ssyncset.done $0x0  }
0xa0: {  	[sflag:s22] =	ssyncadd.s32 s4;
	_ =	sdelay $0x1  }
0xa1: {  	s23 =	simm.s32 $0x1B8B  }
0xa2: {  	_ =	swait.ge [sflag:s23], $0x1  }
0xa3: {  	[sflag:s23] =	ssyncset.done $0x0  }
0xa4: {  	s25 =	simm.s32 $0x1B8E;
	s24 =	sld [smem:$0x3FFE];
	[sflag:s23] =	ssyncadd.s32 $0xFFFFFFFF  }
0xa5: {  	s26 =	simm.s32 $execute0_lowered;
	[smem:$0x3FD2] =	sst s25  }
0xa6: {  	s5 =	sshll.u32 s26, $0x1;
	_ =	strace $0x80000046;
	[dreg:$0x1] =	wrdreg $0xFFFFFFFF  }
0xa7: {  	s28 =	simm.s32 $_size_execute0_lowered;
	s3 =	sadd.s32 s3, s5;
	[dreg:$0x0] =	wrdreg $0x0  }
0xa8: {  	s5 =	sshll.u32 s28, $0x1;
	[dreg:$0x2] =	wrdreg s3  }
0xa9: {  	[dreg:$0x3] =	wrdreg s5  }
0xaa: {  	[dreg:$0x4] =	wrdreg $0xC0  }
0xab: {  	_ =	task [dreg:s7], $0x5FFFF  }
0xac: {  	[dreg:$0x1] =	wrdreg $0xFFFFFFFF  }
0xad: {  	[dreg:$0x0] =	wrdreg $0x60  }
0xae: {  	[dreg:$0x2] =	wrdreg s2  }
0xaf: {  	[dreg:$0x3] =	wrdreg s24  }
0xb0: {  	[dreg:$0x4] =	wrdreg $0x82000  }
0xb1: {  	[dreg:$0x5] =	wrdreg $0x9  }
0xb2: {  	_ =	task.clear_ibuf [dreg:s7], $0x6FFFF;
	_ =	strace $0x90000046  }
0xb3: {  	s29 =	simm.s32 $0x9;
	_ =	strace $0x80000048  }
0xb4: {  	_ =	swait.ge [sflag:s29], $0x1  }
0xb5: {  	[sflag:s29] =	ssyncadd.s32 $0xFFFFFFFF  }
0xb6: {  	_ =	strace $0x90000048  }
0xb7: {  	_ =	sfence  }
0xb8: {  	s30 =	sld [smem:$0x0];
	_ =	sdelay $0x2  }
0xb9: {  	s31 =	sshll.u32 s1, $0xD;
	s1 =	sshrl.u32 s1, $0x2  }
0xba: {  	s3 =	sand.u32 $0x4000, s31;
	s1 =	sadd.s32 s1, s30  }
0xbb: {  	s0 =	sor.u32 s3, s0;
	s1 =	sshll.u32 s1, $0x11  }
0xbc: {  	s0 =	sor.u32 s1, s0  }
0xbd: {  	s0 =	sadd.s32 $0x8F2B, s0  }
0xbe: {  	[sflag:s0] =	ssyncadd.remote.s32 $0x1  }
0xbf: {  	_ =	sfence.sel $0xFFFF  }
0xc0: {  	[dreg:$0x0] =	wrdreg $0xFFFFFFFF;
	(pc) =	sbr.abs _section_cstart, $3  }
0xc1: {  	[dreg:$0x1] =	wrdreg $0xFFFFFFFF  }
0xc2: {  	_ =	task.clear_ibuf [dreg:s7], $0x2FFFF;
	_ =	strace $0x9FFFFFFF  }
0xc3: {  	(tm) =	ssettm $0x7FFFFFFF  }
tec
execute0_lowered:
.L_overlay_start_1:
0x0: {  	(tag) =	ssettag $0x1  }
0x1: {  	s1 =	rddreg [dreg:$0x0]  }
0x2: {  	s8 =	rddreg [dreg:$0x1]  }
0x3: {  	s2 =	rddreg [dreg:$0x2]  }
0x4: {  	s0 =	rddreg [dreg:$0x3];
	s3 =	simm.s32 $0x0  }
0x5: {  	s5 =	srdreg.scid;
	s17 =	simm.s32 $0x50;
	s18 =	simm.s32 $0x2800  }
0x6: {  	s19 =	simm.s32 $0x5500;
	s20 =	simm.s32 $0x1;
	s21 =	simm.s32 $0x2  }
0x7: {  	s22 =	simm.s32 $0x2760;
	s23 =	simm.s32 $0x27B0;
	[smem:$0x7FF] =	sst s3  }
0x8: {  	s4 =	sadd.s32 $0x30600, s8;
	s10 =	sadd.s32 $0x3600, s8;
	s11 =	sadd.s32 $0xA3600, s8  }
0x9: {  	s6 =	sadd.s32 $0x5D600, s8;
	s9 =	sand.u32 $0x1, s5;
	s7 =	sadd.s32 $0x67600, s8  }
0xa: {  	s5 =	stileid.u32;
	s13 =	sadd.s32 $0x71600, s8;
	s16 =	sadd.s32 $0xD0600, s8  }
0xb: {  	_ =	strace $0x80000047;
	s12 =	ssub.s32 $0x2, s9;
	s15 =	smul.u32 $0x16800, s5  }
0xc: {  	p0 =	seq.s32 s9, $0x0;
	s8 =	sshll.u32 s5, $0x8;
	s31 =	sshll.u32 s5, $0x6  }
0xd: {  	s14 =	sshrl.u32 s12, $0x1;
	s11 =	smov.u32 @p0 s10;
	s16 =	smov.u32 @p0 s13  }
0xe: {  	s12 =	ssub.s32 s12, s14;
	s30 =	sadd.s32 s15, s2;
	s15 =	sshrl.u32 s15, $0x3  }
0xf: {  	s9 =	smax.u32 s12, $0x1;
	s10 =	sadd.s32 s11, s15;
	s11 =	sor.u32 $0x1C03, s31  }
0x10: {  	s12 =	smov.u32 s4;
	s13 =	sadd.s32 s16, s15;
	s14 =	sshrl.u32 s30, $0x3  }
0x11: {  	s15 =	simm.s32 $0x3;
	s16 =	simm.s32 $0x1400;
	s12 =	smov.u32 @p0 s1  }
.LBB2_1:
0x12: {  	[spmem:s14], [sflag:s11] =	dma.local [hbm:s10], $0x2D00  }
0x13: {  	_ =	swait.ge [sflag:s15], $0x2D00  }
0x14: {  	[sflag:s15] =	ssyncset.done $0x0  }
0x15: {  	[sflag:s15] =	ssyncadd.s32 $0xFFFFD300  }
0x16: {  	s24 =	simm.s32 $0x0;
	[bflag:$0x0] =	sbarrier.arrive $0xFFFF  }
.LBB2_2:
0x17: {  	s25 =	sshll.u32 s24, $0x6  }
0x18: {  	s25 =	sadd.s32 s8, s25  }
0x19: {  	s25 =	smul.u32 $0xA, s25;
	_ =	sdelay $0x1  }
0x1a: {  	s28 =	simm.s32 $0x0;
	s26 =	sadd.s32 s6, s25  }
0x1b: {  	[tilespmem:s28], [sflag:$0x3] =	stream.linear.gather [hbm4b:s26+s28], $0x1400, $0x38;
	[tilespmem:$0x1EA00] =	vst v63  }
0x1c: {  	_ =	swait.ge [sflag:s15], $0x1400  }
0x1d: {  	[sflag:s15] =	ssyncset.done $0x0  }
0x1e: {  	s25 =	sadd.s32 s7, s25;
	[sflag:s15] =	ssyncadd.s32 $0xFFFFEC00  }
0x1f: {  	[tilespmem:s16], [sflag:$0x3] =	stream.linear.gather [hbm4b:s25+s28], $0x1400, $0x38;
	[tilespmem:$0x1EA00] =	vst v63  }
0x20: {  	_ =	swait.ge [sflag:s15], $0x1400  }
0x21: {  	[sflag:s15] =	ssyncset.done $0x0  }
0x22: {  	[sflag:s15] =	ssyncadd.s32 $0xFFFFEC00  }
0x23: {  	[tilespmem:s18], [sflag:$0x1] =	stream.indirect.gather [hbm4b:s12+s17], $0x90, s28, s17, $0xb8;
	[tilespmem:$0x1EA00] =	vst v63  }
0x24: {  	s28 =	simm.s32 $0x50  }
0x25: {  	[tilespmem:s19], [sflag:$0x2] =	stream.indirect.gather [hbm4b:s12+s17], $0x90, s28, s17, $0xb8;
	[tilespmem:$0x1EA00] =	vst v63  }
0x26: {  	_ =	swait.ge [sflag:s20], $0x2D00  }
0x27: {  	[sflag:s20] =	ssyncset.done $0x0  }
0x28: {  	s29 =	simm.s32 $0x1400;
	[sflag:s20] =	ssyncadd.s32 $0xFFFFD300  }
0x29: {  	[spmem:s2] =	stream.indirect.scatter.add.f32 [tilespmem:s18], [sflag:$0x3], $0x90, s29, s17, $0xb8;
	[tilespmem:$0x1EA00] =	vst v63  }
0x2a: {  	_ =	swait.ge [sflag:s15], $0x2D00  }
0x2b: {  	[sflag:s15] =	ssyncset.done $0x0  }
0x2c: {  	s30 =	simm.s32 $0xA0;
	[sflag:s15] =	ssyncadd.s32 $0xFFFFD300  }
0x2d: {  	[tilespmem:s18], [sflag:$0x1] =	stream.indirect.gather [hbm4b:s12+s17], $0x90, s30, s17, $0xb8;
	[tilespmem:$0x1EA00] =	vst v63  }
0x2e: {  	_ =	swait.ge [sflag:s21], $0x2D00  }
0x2f: {  	[sflag:s21] =	ssyncset.done $0x0  }
0x30: {  	s31 =	simm.s32 $0x1450;
	[sflag:s21] =	ssyncadd.s32 $0xFFFFD300  }
0x31: {  	[spmem:s2] =	stream.indirect.scatter.add.f32 [tilespmem:s19], [sflag:$0x3], $0x90, s31, s17, $0xb8;
	[tilespmem:$0x1EA00] =	vst v63  }
0x32: {  	_ =	swait.ge [sflag:s15], $0x2D00  }
0x33: {  	s26 =	simm.s32 $0x500;
	s25 =	simm.s32 $0xA0;
	[sflag:s15] =	ssyncset.done $0x0  }
.LBB2_3:
0x34: {  	s28 =	sadd.s32 $0x50, s25  }
0x35: {  	[sflag:s15] =	ssyncadd.s32 $0xFFFFD300;
	s29 =	smov.u32 s26;
	s30 =	sadd.s32 $0x280, s26  }
0x36: {  	[tilespmem:s19], [sflag:$0x2] =	stream.indirect.gather [hbm4b:s12+s17], $0x90, s28, s17, $0xb8;
	[tilespmem:$0x1EA00] =	vst v63  }
0x37: {  	p1 =	sne.s32 s26, $0x4B00;
	_ =	swait.ge [sflag:s20], $0x2D00  }
0x38: {  	[sflag:s20] =	ssyncset.done $0x0  }
0x39: {  	s26 =	sadd.s32 $0x1400, s25;
	[sflag:s20] =	ssyncadd.s32 $0xFFFFD300  }
0x3a: {  	[spmem:s2] =	stream.indirect.scatter.add.f32 [tilespmem:s18], [sflag:$0x3], $0x90, s26, s17, $0xb8;
	[tilespmem:$0x1EA00] =	vst v63  }
0x3b: {  	_ =	swait.ge [sflag:s15], $0x2D00  }
0x3c: {  	[sflag:s15] =	ssyncset.done $0x0  }
0x3d: {  	s26 =	sadd.s32 $0xA0, s25;
	[sflag:s15] =	ssyncadd.s32 $0xFFFFD300  }
0x3e: {  	[tilespmem:s18], [sflag:$0x1] =	stream.indirect.gather [hbm4b:s12+s17], $0x90, s26, s17, $0xb8;
	[tilespmem:$0x1EA00] =	vst v63  }
0x3f: {  	_ =	swait.ge [sflag:s21], $0x2D00  }
.Ltmp0:
0x40: {  	[sflag:s21] =	ssyncset.done $0x0;
	(pc) =	sbr.rel @p1 .LBB2_3-.Ltmp0, $4  }
0x41: {  	s25 =	sadd.s32 $0x1450, s25;
	[sflag:s21] =	ssyncadd.s32 $0xFFFFD300  }
0x42: {  	[spmem:s2] =	stream.indirect.scatter.add.f32 [tilespmem:s19], [sflag:$0x3], $0x90, s25, s17, $0xb8;
	[tilespmem:$0x1EA00] =	vst v63  }
0x43: {  	_ =	swait.ge [sflag:s15], $0x2D00  }
0x44: {  	s26 =	smov.u32 s30;
	s25 =	sshra.s32 s29, $0x2;
	[sflag:s15] =	ssyncset.done $0x0  }
0x45: {  	s26 =	sadd.s32 $0x50, s25;
	[sflag:s15] =	ssyncadd.s32 $0xFFFFD300  }
0x46: {  	[tilespmem:s19], [sflag:$0x2] =	stream.indirect.gather [hbm4b:s12+s17], $0x90, s26, s17, $0xb8;
	[tilespmem:$0x1EA00] =	vst v63  }
0x47: {  	_ =	swait.ge [sflag:s20], $0x2D00  }
0x48: {  	[sflag:s20] =	ssyncset.done $0x0  }
0x49: {  	s29 =	sadd.s32 $0x1400, s25;
	[sflag:s20] =	ssyncadd.s32 $0xFFFFD300  }
0x4a: {  	[spmem:s2] =	stream.indirect.scatter.add.f32 [tilespmem:s18], [sflag:$0x3], $0x90, s29, s17, $0xb8;
	[tilespmem:$0x1EA00] =	vst v63  }
0x4b: {  	_ =	swait.ge [sflag:s15], $0x2D00  }
0x4c: {  	[sflag:s15] =	ssyncset.done $0x0  }
0x4d: {  	s30 =	sadd.s32 $0xA0, s25;
	[sflag:s15] =	ssyncadd.s32 $0xFFFFD300  }
0x4e: {  	[tilespmem:s18], [sflag:$0x1] =	stream.indirect.gather [hbm4b:s12+s17], $0x90, s30, s17, $0xb8;
	[tilespmem:$0x1EA00] =	vst v63  }
0x4f: {  	_ =	swait.ge [sflag:s21], $0x2D00  }
0x50: {  	[sflag:s21] =	ssyncset.done $0x0  }
0x51: {  	s31 =	sadd.s32 $0x1450, s25;
	[sflag:s21] =	ssyncadd.s32 $0xFFFFD300  }
0x52: {  	[spmem:s2] =	stream.indirect.scatter.add.f32 [tilespmem:s19], [sflag:$0x3], $0x90, s31, s17, $0xb8;
	[tilespmem:$0x1EA00] =	vst v63  }
0x53: {  	_ =	swait.ge [sflag:s15], $0x2D00  }
0x54: {  	s25 =	simm.s32 @p0 $0x50;
	[sflag:s15] =	ssyncset.done $0x0  }
0x55: {  	s28 =	simm.s32 @p0 $0x5500;
	s26 =	simm.s32 @p0 $0x13B0;
	[sflag:s15] =	ssyncadd.s32 $0xFFFFD300  }
0x56: {  	[tilespmem:s28], [sflag:$0x2] =	stream.indirect.gather @p0 [hbm4b:s1+s25], $0x90, s26, s25, $0xb8;
	[tilespmem:$0x1EA00] =	vst v63  }
0x57: {  	s25 =	simm.s32 @!p0 $0x50;
	s26 =	simm.s32 @!p0 $0x13B0;
	s28 =	simm.s32 @!p0 $0x5500  }
0x58: {  	[tilespmem:s28], [sflag:$0x2] =	stream.indirect.gather @!p0 [hbm4b:s4+s25], $0x90, s26, s25, $0xb8;
	[tilespmem:$0x1EA00] =	vst v63  }
0x59: {  	_ =	swait.ge [sflag:s20], $0x2D00  }
0x5a: {  	[sflag:s20] =	ssyncset.done $0x0  }
0x5b: {  	[sflag:s20] =	ssyncadd.s32 $0xFFFFD300  }
0x5c: {  	[spmem:s2] =	stream.indirect.scatter.add.f32 [tilespmem:s18], [sflag:$0x3], $0x90, s22, s17, $0xb8;
	[tilespmem:$0x1EA00] =	vst v63  }
0x5d: {  	_ =	swait.ge [sflag:s15], $0x2D00  }
0x5e: {  	[sflag:s15] =	ssyncset.done $0x0  }
0x5f: {  	[sflag:s15] =	ssyncadd.s32 $0xFFFFD300  }
0x60: {  	s24 =	sadd.s32 $0x1, s24;
	_ =	swait.ge [sflag:s21], $0x2D00  }
0x61: {  	p1 =	sne.s32 s24, $0x4;
	[sflag:s21] =	ssyncset.done $0x0  }
.Ltmp1:
0x62: {  	[sflag:s21] =	ssyncadd.s32 $0xFFFFD300;
	(pc) =	sbr.rel @p1 .LBB2_2-.Ltmp1, $4  }
0x63: {  	[spmem:s2] =	stream.indirect.scatter.add.f32 [tilespmem:s19], [sflag:$0x3], $0x90, s23, s17, $0xb8;
	[tilespmem:$0x1EA00] =	vst v63  }
0x64: {  	_ =	swait.ge [sflag:s15], $0x2D00  }
0x65: {  	[sflag:s15] =	ssyncset.done $0x0  }
0x66: {  	[sflag:s15] =	ssyncadd.s32 $0xFFFFD300  }
0x67: {  	s3 =	sadd.s32 $0x1, s3  }
0x68: {  	p1 =	sne.s32 s3, s9  }
.Ltmp2:
0x69: {  	[bflag:$0x0] =	sbarrier.arrive $0xFFFF;
	(pc) =	sbr.rel @p1 .LBB2_1-.Ltmp2, $4  }
0x6a: {  	[hbm:s13], [sflag:s11] =	dma.local [spmem:s14], $0x2D00  }
0x6b: {  	_ =	swait.ge [sflag:s15], $0x2D00  }
0x6c: {  	[sflag:s15] =	ssyncset.done $0x0  }
0x6d: {  	[sflag:s15] =	ssyncadd.s32 $0xFFFFD300  }
0x6e: {  	_ =	sfence.sel $0x180000  }
0x6f: {  	[bflag:$0x0] =	sbarrier.arrive $0xFFFF  }
0x70: {  	p0 =	sne.s32 s5, $0x0;
	_ =	strace $0x90000047  }
0x71: {  	s0 =	sadd.s32 @!p0 $0x100000, s0;
	[bflag:$0x2] =	sbarrier.arrive $0xFFFF  }
0x72: {  	[sflag:s0] =	ssyncadd.tile.s32 @!p0 $0x1;
	_ =	shalt  }
.Lfunc_end2:
_tile_overlayer_lowered:
.L_overlay_start_2:
0x73: {  	(tag) =	ssettag $0x2  }
0x74: {  	s0 =	rddreg [dreg:$0x0];
	s2 =	stileid.u32  }
0x75: {  	s1 =	rddreg [dreg:$0x1];
	p0 =	sne.s32 s2, $0x0  }
0x76: {  	s3 =	rddreg [dreg:$0x2];
	[bflag:$0x3] =	sbarrier.arrive $0xFFFF;
	s2 =	simm.s32 @!p0 $0x1C03  }
0x77: {  	[timem:s3], [sflag:s2] =	dma.local @!p0 [hbm:s0], s1  }
0x78: {  	s0 =	simm.s32 @!p0 $0x3  }
0x79: {  	_ =	swait.ge @!p0 [sflag:s0], s1  }
0x7a: {  	s1 =	ssub.s32 @!p0 $0x0, s1;
	[sflag:s0] =	ssyncset.done @!p0 $0x0  }
0x7b: {  	[sflag:s0] =	ssyncadd.s32 @!p0 s1  }
0x7c: {  	[bflag:$0x3] =	sbarrier.arrive $0xFFFF  }
0x7d: {  	_ =	shalt  }

</sc_bundles>
